<compile_context>
chip_gen: v7x
topology: tpu7x:2x2x1
jax: 0.10.2.dev20260603
libtpu: 0.0.44.dev20260713+nightly
codegen_flags: <defaults>
</compile_context>

<pallas_src>
import functools

import jax
import jax.numpy as jnp
from jax import lax
from jax.experimental import pallas as pl
from jax.experimental.pallas import tpu as pltpu
from jax.experimental.pallas import tpu_sc as plsc

N = 10000
E = 320000
D = 128

NC = 2
NS = 16
NW = NC * NS

K = 125
CHUNKS = E // NW // K
EROWS = E // K
NP = 10240
NPT = NP // NS
DEGW = 128

_MESH = plsc.VectorSubcoreMesh(core_axis_name="c", subcore_axis_name="s")



def _deg_body(edges, ones_h, zeros_h, out, idx, ones_v, acc, sd):
    c = lax.axis_index("c")
    s = lax.axis_index("s")
    pltpu.sync_copy(zeros_h, acc.at[pl.ds(s * NPT, NPT)])
    pltpu.sync_copy(edges.at[c, pl.ds(s * (EROWS // NS), EROWS // NS)], idx)
    pltpu.sync_copy(ones_h, ones_v)
    plsc.subcore_barrier()

    @pl.loop(0, EROWS // NS)
    def _(j):
        pltpu.async_copy(ones_v, acc.at[idx.at[j]], sd, add=True)

    @pl.loop(0, EROWS // NS)
    def _(j):
        pltpu.make_async_copy(ones_v, acc.at[idx.at[0]], sd).wait()

    plsc.subcore_barrier()
    pltpu.sync_copy(acc.at[pl.ds(s * NPT, NPT)], out.at[c, pl.ds(s * NPT, NPT)])


_deg_kernel = functools.partial(
    pl.kernel,
    out_type=jax.ShapeDtypeStruct((2, NP, DEGW), jnp.float32),
    mesh=_MESH,
    scratch_types=[
        pltpu.VMEM((EROWS // NS, K), jnp.int32),
        pltpu.VMEM((K, DEGW), jnp.float32),
        pltpu.VMEM_SHARED((NP, DEGW), jnp.float32),
        pltpu.SemaphoreType.DMA,
    ],
)(_deg_body)


def _agg_body(hp, srcr, dstr, zrows, out, ib0, ib1, idx_d, rows0, rows1, acc,
              sg0, sg1, sf0, sf1, ss0, ss1):
    c = lax.axis_index("c")
    s = lax.axis_index("s")
    wid = c * NS + s
    base = wid * CHUNKS
    pltpu.sync_copy(zrows, acc.at[pl.ds(s * NPT, NPT)])
    pltpu.sync_copy(dstr.at[pl.ds(base, CHUNKS)], idx_d)
    pltpu.sync_copy(srcr.at[pl.ds(base, 1)], ib0)
    pltpu.sync_copy(srcr.at[pl.ds(base + 1, 1)], ib1)
    plsc.subcore_barrier()

    pltpu.make_async_copy(hp.at[ib0.at[0]], rows0, sg0).start()
    pltpu.make_async_copy(hp.at[ib1.at[0]], rows1, sg1).start()

    @pl.loop(0, CHUNKS // 2)
    def _(jj):
        t = 2 * jj
        pltpu.make_async_copy(hp.at[ib0.at[0]], rows0, sg0).wait()

        @pl.when(jj < CHUNKS // 2 - 1)
        def _():
            pltpu.make_async_copy(
                srcr.at[pl.ds(base + t + 2, 1)], ib0, sf0).start()

        pltpu.async_copy(rows0, acc.at[idx_d.at[t]], ss0, add=True)

        @pl.when(jj > 0)
        def _():
            pltpu.make_async_copy(
                srcr.at[pl.ds(base + t + 1, 1)], ib1, sf1).wait()
            pltpu.make_async_copy(rows1, acc.at[idx_d.at[0]], ss1).wait()
            pltpu.make_async_copy(hp.at[ib1.at[0]], rows1, sg1).start()

        pltpu.make_async_copy(hp.at[ib1.at[0]], rows1, sg1).wait()

        @pl.when(jj < CHUNKS // 2 - 1)
        def _():
            pltpu.make_async_copy(
                srcr.at[pl.ds(base + t + 3, 1)], ib1, sf1).start()

        pltpu.async_copy(rows1, acc.at[idx_d.at[t + 1]], ss1, add=True)

        @pl.when(jj < CHUNKS // 2 - 1)
        def _():
            pltpu.make_async_copy(
                srcr.at[pl.ds(base + t + 2, 1)], ib0, sf0).wait()
            pltpu.make_async_copy(rows0, acc.at[idx_d.at[0]], ss0).wait()
            pltpu.make_async_copy(hp.at[ib0.at[0]], rows0, sg0).start()

    pltpu.make_async_copy(rows0, acc.at[idx_d.at[0]], ss0).wait()
    pltpu.make_async_copy(rows1, acc.at[idx_d.at[0]], ss1).wait()

    plsc.subcore_barrier()
    pltpu.sync_copy(acc.at[pl.ds(s * NPT, NPT)], out.at[c, pl.ds(s * NPT, NPT)])


_agg_kernel = functools.partial(
    pl.kernel,
    out_type=jax.ShapeDtypeStruct((2, NP, D), jnp.float32),
    mesh=_MESH,
    scratch_types=[
        pltpu.VMEM((1, K), jnp.int32),
        pltpu.VMEM((1, K), jnp.int32),
        pltpu.VMEM((CHUNKS, K), jnp.int32),
        pltpu.VMEM((K, D), jnp.float32),
        pltpu.VMEM((K, D), jnp.float32),
        pltpu.VMEM_SHARED((NP, D), jnp.float32),
        pltpu.SemaphoreType.DMA,
        pltpu.SemaphoreType.DMA,
        pltpu.SemaphoreType.DMA,
        pltpu.SemaphoreType.DMA,
        pltpu.SemaphoreType.DMA,
        pltpu.SemaphoreType.DMA,
    ],
)(_agg_body)



BLK = 1000
GRID = N // BLK


def _rsqrt_norm(d):
    return jnp.where(d > 0, lax.rsqrt(jnp.maximum(d, 1.0)), 0.0)


def _tc1a_body(x_ref, w_ref, o_ref):
    o_ref[...] = jnp.dot(x_ref[...], w_ref[...],
                         preferred_element_type=jnp.float32,
                         precision=lax.Precision.HIGHEST)


_tc1a = pl.pallas_call(
    _tc1a_body,
    out_shape=jax.ShapeDtypeStruct((N, D), jnp.float32),
    grid=(GRID,),
    in_specs=[
        pl.BlockSpec((BLK, D), lambda i: (i, 0)),
        pl.BlockSpec((D, D), lambda i: (0, 0)),
    ],
    out_specs=pl.BlockSpec((BLK, D), lambda i: (i, 0)),
)


def _tc1b_body(h_ref, od_ref, o_ref):
    o_ref[...] = h_ref[...] * _rsqrt_norm(od_ref[...][0, :, :1])


_tc1b = pl.pallas_call(
    _tc1b_body,
    out_shape=jax.ShapeDtypeStruct((N, D), jnp.float32),
    grid=(GRID,),
    in_specs=[
        pl.BlockSpec((BLK, D), lambda i: (i, 0)),
        pl.BlockSpec((1, BLK, DEGW), lambda i: (0, i, 0)),
    ],
    out_specs=pl.BlockSpec((BLK, D), lambda i: (i, 0)),
)


def _tc2_body(p0_ref, p1_ref, deg_ref, b_ref, w_ref, o_ref):
    d = deg_ref[...]
    nd = _rsqrt_norm(d[1, :, :1])
    a = (p0_ref[...][0] + p1_ref[...][0]) * nd + b_ref[...]
    h1 = jnp.maximum(a, 0.0)
    h2 = jnp.dot(h1, w_ref[...], preferred_element_type=jnp.float32,
                 precision=lax.Precision.HIGHEST)
    o_ref[...] = h2 * _rsqrt_norm(d[0, :, :1])


_tc2 = pl.pallas_call(
    _tc2_body,
    out_shape=jax.ShapeDtypeStruct((N, D), jnp.float32),
    grid=(GRID,),
    in_specs=[
        pl.BlockSpec((1, BLK, D), lambda i: (0, i, 0)),
        pl.BlockSpec((1, BLK, D), lambda i: (1, i, 0)),
        pl.BlockSpec((2, BLK, DEGW), lambda i: (0, i, 0)),
        pl.BlockSpec((1, D), lambda i: (0, 0)),
        pl.BlockSpec((D, D), lambda i: (0, 0)),
    ],
    out_specs=pl.BlockSpec((BLK, D), lambda i: (i, 0)),
)


def _tc3_body(p0_ref, p1_ref, id_ref, b_ref, o_ref):
    nd = _rsqrt_norm(id_ref[...][0, :, :1])
    z = (p0_ref[...][0] + p1_ref[...][0]) * nd + b_ref[...]
    m = jnp.max(z, axis=1, keepdims=True)
    e = jnp.exp(z - m)
    o_ref[...] = e / jnp.sum(e, axis=1, keepdims=True)


_tc3 = pl.pallas_call(
    _tc3_body,
    out_shape=jax.ShapeDtypeStruct((N, D), jnp.float32),
    grid=(GRID,),
    in_specs=[
        pl.BlockSpec((1, BLK, D), lambda i: (0, i, 0)),
        pl.BlockSpec((1, BLK, D), lambda i: (1, i, 0)),
        pl.BlockSpec((1, BLK, DEGW), lambda i: (1, i, 0)),
        pl.BlockSpec((1, D), lambda i: (0, 0)),
    ],
    out_specs=pl.BlockSpec((BLK, D), lambda i: (i, 0)),
)



@jax.jit
def kernel(inputs, edge_index, W1, b1, W2, b2):
    edge_index = edge_index.astype(jnp.int32)
    src2d = edge_index[0].reshape(EROWS, K)
    dst2d = edge_index[1].reshape(EROWS, K)
    edge3d = edge_index.reshape(2, EROWS, K)

    ones_h = jnp.ones((K, DEGW), jnp.float32)
    zrows = jnp.zeros((NPT, D), jnp.float32)

    deg = _deg_kernel(edge3d, ones_h, zrows)

    h = _tc1a(inputs, W1)
    hp = _tc1b(h, deg)
    p = _agg_kernel(hp, src2d, dst2d, zrows)
    h2 = _tc2(p, p, deg, b1.reshape(1, D), W2)
    p2 = _agg_kernel(h2, src2d, dst2d, zrows)
    return _tc3(p2, p2, deg, b2.reshape(1, D))

# --- scband reference (transcript-rebuilt; emitter-appended) ---
"""Pipeline reference for scband-gcn-9758165697098 (READ-ONLY COPY).

The authoritative reference and input builder live on the scoring server;
editing this copy changes nothing except your own understanding.
"""

import jax, jax.numpy as jnp
import numpy as np

N_NODES = 10000
N_EDGES = 320000
D_IN = 128
D_HID = 128
D_OUT = 128


def graph_conv(x, src, dst, W, b, n_nodes):
    # DGL GraphConv with norm='both': D_dst^{-1/2} * A * D_src^{-1/2} * X * W + b
    out_deg = jnp.zeros((n_nodes,), jnp.float32).at[src].add(1.0)
    in_deg = jnp.zeros((n_nodes,), jnp.float32).at[dst].add(1.0)
    norm_src = jnp.where(out_deg > 0, jax.lax.rsqrt(jnp.maximum(out_deg, 1.0)), 0.0)
    norm_dst = jnp.where(in_deg > 0, jax.lax.rsqrt(jnp.maximum(in_deg, 1.0)), 0.0)
    h = x @ W
    m = h[src] * norm_src[src][:, None]
    agg = jnp.zeros((n_nodes, h.shape[1]), h.dtype).at[dst].add(m)
    return agg * norm_dst[:, None] + b


def setup_inputs(seed: int = 0) -> dict:
    key = jax.random.key(seed)
    k1, k2, k3, k4, k5, k6 = jax.random.split(key, 6)
    inputs = jax.random.normal(k1, (N_NODES, D_IN), dtype=jnp.float32)
    edge_index = jax.random.randint(k2, (2, N_EDGES), 0, N_NODES, dtype=jnp.int32)
    W1 = jax.random.normal(k3, (D_IN, D_HID), dtype=jnp.float32) * (1.0 / np.sqrt(D_IN))
    b1 = jnp.zeros((D_HID,), dtype=jnp.float32)
    W2 = jax.random.normal(k4, (D_HID, D_OUT), dtype=jnp.float32) * (1.0 / np.sqrt(D_HID))
    b2 = jnp.zeros((D_OUT,), dtype=jnp.float32)
    return {"inputs": inputs, "edge_index": edge_index, "W1": W1, "b1": b1, "W2": W2, "b2": b2}


def reference(inputs, edge_index, W1, b1, W2, b2):
    src = edge_index[0]
    dst = edge_index[1]
    h = graph_conv(inputs, src, dst, W1, b1, N_NODES)
    h = jax.nn.relu(h)
    h = graph_conv(h, src, dst, W2, b2, N_NODES)
    return jax.nn.softmax(h, axis=1)

if __name__ == "__main__":
    import jax
    _d = setup_inputs()
    print(jax.jit(kernel)(*tuple(_d.values())))

</pallas_src>

<mosaic_0001>
#map = affine_map<(d0, d1) -> (0, 0, 0)>
#map1 = affine_map<(d0, d1) -> (0, 0)>
module attributes {stable_mosaic.version = 14 : i64} {
  func.func @_deg_body(%arg0: i32, %arg1: i32, %arg2: memref<2x2560x125xi32, #tpu.memory_space<hbm>>, %arg3: memref<125x128xf32, #tpu.memory_space<hbm>>, %arg4: memref<640x128xf32, #tpu.memory_space<hbm>>, %arg5: memref<2x10240x128xf32, #tpu.memory_space<hbm>>, %arg6: memref<160x125xi32, #tpu.memory_space<vmem>>, %arg7: memref<125x128xf32, #tpu.memory_space<vmem>>, %arg8: memref<10240x128xf32, #tpu.memory_space<vmem_shared>>, %arg9: memref<!tpu.dma_semaphore, #tpu.memory_space<semaphore_mem>>) attributes {dimension_semantics = [#tpu.dimension_semantics<core_parallel>, #tpu.dimension_semantics<subcore_parallel>], iteration_bounds = array<i64: 2, 16>, scalar_prefetch = 0 : i64, scratch_operands = 4 : i64, tpu.core_type = #tpu.core_type<sc_vector_subcore>, window_params = [{transform_indices = #map}, {transform_indices = #map1}, {transform_indices = #map1}, {transform_indices = #map}]} {
    %mul3A = arith.constant 640 : i32
    %mul3A_0 = arith.muli %arg1, %mul3A : i32
    "tpu.region"() ({
      %run_scoped3A = tpu.sem_alloc : memref<!tpu.dma_semaphore, #tpu.memory_space<semaphore_mem>>
      %dma_start3A = arith.constant 0 : i32
      %dma_start3A_17 = tpu.memref_slice %arg8[%mul3A_0, %dma_start3A] : memref<10240x128xf32, #tpu.memory_space<vmem_shared>> -> memref<640x128xf32, #tpu.memory_space<vmem_shared>>
      tpu.enqueue_dma source(%arg4 : memref<640x128xf32, #tpu.memory_space<hbm>>) target(%dma_start3A_17 : memref<640x128xf32, #tpu.memory_space<vmem_shared>>) target_semaphore(%run_scoped3A : memref<!tpu.dma_semaphore, #tpu.memory_space<semaphore_mem>>)
      %dma_wait3A = arith.constant 0 : i32
      %dma_wait3A_18 = tpu.memref_slice %arg8[%mul3A_0, %dma_wait3A] : memref<10240x128xf32, #tpu.memory_space<vmem_shared>> -> memref<640x128xf32, #tpu.memory_space<vmem_shared>>
      tpu.wait_dma2 semaphore(%run_scoped3A : memref<!tpu.dma_semaphore, #tpu.memory_space<semaphore_mem>>) src(%arg4 : memref<640x128xf32, #tpu.memory_space<hbm>>) dst(%dma_wait3A_18 : memref<640x128xf32, #tpu.memory_space<vmem_shared>>)
      tpu.yield
    }) : () -> ()
    %mul3A_1 = arith.constant 160 : i32
    %mul3A_2 = arith.muli %arg1, %mul3A_1 : i32
    "tpu.region"() ({
      %run_scoped3A = tpu.sem_alloc : memref<!tpu.dma_semaphore, #tpu.memory_space<semaphore_mem>>
      %dma_start3A = arith.constant 0 : i32
      %dma_start3A_17 = tpu.memref_slice %arg2[%arg0, %mul3A_2, %dma_start3A] : memref<2x2560x125xi32, #tpu.memory_space<hbm>> -> memref<1x160x125xi32, #tpu.memory_space<hbm>>
      %dma_start3A_18 = tpu.memref_squeeze %dma_start3A_17 : memref<1x160x125xi32, #tpu.memory_space<hbm>> -> memref<160x125xi32, #tpu.memory_space<hbm>>
      %dma_start3A_19 = arith.constant 0 : i32
      %dma_start3A_20 = tpu.memref_slice %arg2[%arg0, %mul3A_2, %dma_start3A_19] : memref<2x2560x125xi32, #tpu.memory_space<hbm>> -> memref<1x160x125xi32, #tpu.memory_space<hbm>>
      %dma_start3A_21 = tpu.memref_squeeze %dma_start3A_20 : memref<1x160x125xi32, #tpu.memory_space<hbm>> -> memref<160x125xi32, #tpu.memory_space<hbm>>
      tpu.enqueue_dma source(%dma_start3A_21 : memref<160x125xi32, #tpu.memory_space<hbm>>) target(%arg6 : memref<160x125xi32, #tpu.memory_space<vmem>>) target_semaphore(%run_scoped3A : memref<!tpu.dma_semaphore, #tpu.memory_space<semaphore_mem>>)
      %dma_wait3A = arith.constant 0 : i32
      %dma_wait3A_22 = tpu.memref_slice %arg2[%arg0, %mul3A_2, %dma_wait3A] : memref<2x2560x125xi32, #tpu.memory_space<hbm>> -> memref<1x160x125xi32, #tpu.memory_space<hbm>>
      %dma_wait3A_23 = tpu.memref_squeeze %dma_wait3A_22 : memref<1x160x125xi32, #tpu.memory_space<hbm>> -> memref<160x125xi32, #tpu.memory_space<hbm>>
      %dma_wait3A_24 = arith.constant 0 : i32
      %dma_wait3A_25 = tpu.memref_slice %arg2[%arg0, %mul3A_2, %dma_wait3A_24] : memref<2x2560x125xi32, #tpu.memory_space<hbm>> -> memref<1x160x125xi32, #tpu.memory_space<hbm>>
      %dma_wait3A_26 = tpu.memref_squeeze %dma_wait3A_25 : memref<1x160x125xi32, #tpu.memory_space<hbm>> -> memref<160x125xi32, #tpu.memory_space<hbm>>
      tpu.wait_dma2 semaphore(%run_scoped3A : memref<!tpu.dma_semaphore, #tpu.memory_space<semaphore_mem>>) src(%dma_wait3A_26 : memref<160x125xi32, #tpu.memory_space<hbm>>) dst(%arg6 : memref<160x125xi32, #tpu.memory_space<vmem>>)
      tpu.yield
    }) : () -> ()
    "tpu.region"() ({
      %run_scoped3A = tpu.sem_alloc : memref<!tpu.dma_semaphore, #tpu.memory_space<semaphore_mem>>
      tpu.enqueue_dma source(%arg3 : memref<125x128xf32, #tpu.memory_space<hbm>>) target(%arg7 : memref<125x128xf32, #tpu.memory_space<vmem>>) target_semaphore(%run_scoped3A : memref<!tpu.dma_semaphore, #tpu.memory_space<semaphore_mem>>)
      tpu.wait_dma2 semaphore(%run_scoped3A : memref<!tpu.dma_semaphore, #tpu.memory_space<semaphore_mem>>) src(%arg3 : memref<125x128xf32, #tpu.memory_space<hbm>>) dst(%arg7 : memref<125x128xf32, #tpu.memory_space<vmem>>)
      tpu.yield
    }) : () -> ()
    %barrier3A = arith.constant 0 : index
    tpu.barrier barrier_id(%barrier3A)
    %scan3A = arith.constant 0 : i32
    %scan3A_3 = arith.constant 160 : i32
    %scan3A_4 = arith.addi %scan3A, %scan3A_3 : i32
    %scan3A_5 = arith.constant 1 : i32
    scf.for %scan3A_17 = %scan3A to %scan3A_4 step %scan3A_5  : i32 {
      %mul3A_18 = arith.constant 1 : i32
      %mul3A_19 = arith.muli %scan3A_17, %mul3A_18 : i32
      %add3A = arith.constant 0 : i32
      %add3A_20 = arith.addi %add3A, %mul3A_19 : i32
      %dma_start3A = arith.constant 0 : i32
      %dma_start3A_21 = tpu.memref_slice %arg6[%add3A_20, %dma_start3A] : memref<160x125xi32, #tpu.memory_space<vmem>> -> memref<1x125xi32, #tpu.memory_space<vmem>>
      %dma_start3A_22 = tpu.memref_squeeze %dma_start3A_21 : memref<1x125xi32, #tpu.memory_space<vmem>> -> memref<125xi32, #tpu.memory_space<vmem>>
      %dma_start3A_23 = arith.constant 0 : i32
      %dma_start3A_24 = arith.constant 0 : i32
      %dma_start3A_25 = tpu.memref_slice %arg8[%dma_start3A_23, %dma_start3A_24] : memref<10240x128xf32, #tpu.memory_space<vmem_shared>> -> memref<10240x128xf32, #tpu.memory_space<vmem_shared>>
      tpu.enqueue_indirect_dma source(%arg7 : memref<125x128xf32, #tpu.memory_space<vmem>>) target(%dma_start3A_25 : memref<10240x128xf32, #tpu.memory_space<vmem_shared>>) offsets(%dma_start3A_22 : memref<125xi32, #tpu.memory_space<vmem>>) semaphore(%arg9 : memref<!tpu.dma_semaphore, #tpu.memory_space<semaphore_mem>>) {add = true}
    }
    %scan3A_6 = arith.constant 160 : i32
    %scan3A_7 = arith.constant 0 : i32
    %scan3A_8 = arith.constant 160 : i32
    %scan3A_9 = arith.addi %scan3A_7, %scan3A_8 : i32
    %scan3A_10 = arith.constant 1 : i32
    scf.for %scan3A_17 = %scan3A_7 to %scan3A_9 step %scan3A_10  : i32 {
      %mul3A_18 = arith.constant 1 : i32
      %mul3A_19 = arith.muli %scan3A_17, %mul3A_18 : i32
      %add3A = arith.constant 0 : i32
      %add3A_20 = arith.addi %add3A, %mul3A_19 : i32
      %dma_wait3A = arith.constant 0 : i32
      %dma_wait3A_21 = arith.constant 0 : i32
      %dma_wait3A_22 = tpu.memref_slice %arg6[%dma_wait3A, %dma_wait3A_21] : memref<160x125xi32, #tpu.memory_space<vmem>> -> memref<1x125xi32, #tpu.memory_space<vmem>>
      %dma_wait3A_23 = tpu.memref_squeeze %dma_wait3A_22 : memref<1x125xi32, #tpu.memory_space<vmem>> -> memref<125xi32, #tpu.memory_space<vmem>>
      %dma_wait3A_24 = arith.constant 0 : i32
      %dma_wait3A_25 = arith.constant 0 : i32
      %dma_wait3A_26 = tpu.memref_slice %arg8[%dma_wait3A_24, %dma_wait3A_25] : memref<10240x128xf32, #tpu.memory_space<vmem_shared>> -> memref<10240x128xf32, #tpu.memory_space<vmem_shared>>
      tpu.wait_indirect_dma semaphore(%arg9 : memref<!tpu.dma_semaphore, #tpu.memory_space<semaphore_mem>>) src(%arg7 : memref<125x128xf32, #tpu.memory_space<vmem>>) dst(%dma_wait3A_26 : memref<10240x128xf32, #tpu.memory_space<vmem_shared>>)
    }
    %scan3A_11 = arith.constant 160 : i32
    %barrier3A_12 = arith.constant 0 : index
    tpu.barrier barrier_id(%barrier3A_12)
    %mul3A_13 = arith.constant 640 : i32
    %mul3A_14 = arith.muli %arg1, %mul3A_13 : i32
    %mul3A_15 = arith.constant 640 : i32
    %mul3A_16 = arith.muli %arg1, %mul3A_15 : i32
    "tpu.region"() ({
      %run_scoped3A = tpu.sem_alloc : memref<!tpu.dma_semaphore, #tpu.memory_space<semaphore_mem>>
      %dma_start3A = arith.constant 0 : i32
      %dma_start3A_17 = tpu.memref_slice %arg5[%arg0, %mul3A_16, %dma_start3A] : memref<2x10240x128xf32, #tpu.memory_space<hbm>> -> memref<1x640x128xf32, #tpu.memory_space<hbm>>
      %dma_start3A_18 = tpu.memref_squeeze %dma_start3A_17 : memref<1x640x128xf32, #tpu.memory_space<hbm>> -> memref<640x128xf32, #tpu.memory_space<hbm>>
      %dma_start3A_19 = arith.constant 0 : i32
      %dma_start3A_20 = tpu.memref_slice %arg8[%mul3A_14, %dma_start3A_19] : memref<10240x128xf32, #tpu.memory_space<vmem_shared>> -> memref<640x128xf32, #tpu.memory_space<vmem_shared>>
      tpu.enqueue_dma source(%dma_start3A_20 : memref<640x128xf32, #tpu.memory_space<vmem_shared>>) target(%dma_start3A_18 : memref<640x128xf32, #tpu.memory_space<hbm>>) target_semaphore(%run_scoped3A : memref<!tpu.dma_semaphore, #tpu.memory_space<semaphore_mem>>)
      %dma_wait3A = arith.constant 0 : i32
      %dma_wait3A_21 = tpu.memref_slice %arg5[%arg0, %mul3A_16, %dma_wait3A] : memref<2x10240x128xf32, #tpu.memory_space<hbm>> -> memref<1x640x128xf32, #tpu.memory_space<hbm>>
      %dma_wait3A_22 = tpu.memref_squeeze %dma_wait3A_21 : memref<1x640x128xf32, #tpu.memory_space<hbm>> -> memref<640x128xf32, #tpu.memory_space<hbm>>
      %dma_wait3A_23 = arith.constant 0 : i32
      %dma_wait3A_24 = tpu.memref_slice %arg8[%mul3A_14, %dma_wait3A_23] : memref<10240x128xf32, #tpu.memory_space<vmem_shared>> -> memref<640x128xf32, #tpu.memory_space<vmem_shared>>
      tpu.wait_dma2 semaphore(%run_scoped3A : memref<!tpu.dma_semaphore, #tpu.memory_space<semaphore_mem>>) src(%dma_wait3A_24 : memref<640x128xf32, #tpu.memory_space<vmem_shared>>) dst(%dma_wait3A_22 : memref<640x128xf32, #tpu.memory_space<hbm>>)
      tpu.yield
    }) : () -> ()
    return
  }
}

#map = affine_map<(d0, d1) -> (0, 0)>
#map1 = affine_map<(d0, d1) -> (0, 0, 0)>
module attributes {stable_mosaic.version = 14 : i64} {
  func.func @_agg_body(%arg0: i32, %arg1: i32, %arg2: memref<10000x128xf32, #tpu.memory_space<hbm>>, %arg3: memref<2560x125xi32, #tpu.memory_space<hbm>>, %arg4: memref<2560x125xi32, #tpu.memory_space<hbm>>, %arg5: memref<640x128xf32, #tpu.memory_space<hbm>>, %arg6: memref<2x10240x128xf32, #tpu.memory_space<hbm>>, %arg7: memref<1x125xi32, #tpu.memory_space<vmem>>, %arg8: memref<1x125xi32, #tpu.memory_space<vmem>>, %arg9: memref<80x125xi32, #tpu.memory_space<vmem>>, %arg10: memref<125x128xf32, #tpu.memory_space<vmem>>, %arg11: memref<125x128xf32, #tpu.memory_space<vmem>>, %arg12: memref<10240x128xf32, #tpu.memory_space<vmem_shared>>, %arg13: memref<!tpu.dma_semaphore, #tpu.memory_space<semaphore_mem>>, %arg14: memref<!tpu.dma_semaphore, #tpu.memory_space<semaphore_mem>>, %arg15: memref<!tpu.dma_semaphore, #tpu.memory_space<semaphore_mem>>, %arg16: memref<!tpu.dma_semaphore, #tpu.memory_space<semaphore_mem>>, %arg17: memref<!tpu.dma_semaphore, #tpu.memory_space<semaphore_mem>>, %arg18: memref<!tpu.dma_semaphore, #tpu.memory_space<semaphore_mem>>) attributes {dimension_semantics = [#tpu.dimension_semantics<core_parallel>, #tpu.dimension_semantics<subcore_parallel>], iteration_bounds = array<i64: 2, 16>, scalar_prefetch = 0 : i64, scratch_operands = 12 : i64, tpu.core_type = #tpu.core_type<sc_vector_subcore>, window_params = [{transform_indices = #map}, {transform_indices = #map}, {transform_indices = #map}, {transform_indices = #map}, {transform_indices = #map1}]} {
    %mul3A = arith.constant 16 : i32
    %mul3A_0 = arith.muli %arg0, %mul3A : i32
    %add3A = arith.addi %mul3A_0, %arg1 : i32
    %mul3A_1 = arith.constant 80 : i32
    %mul3A_2 = arith.muli %add3A, %mul3A_1 : i32
    %mul3A_3 = arith.constant 640 : i32
    %mul3A_4 = arith.muli %arg1, %mul3A_3 : i32
    "tpu.region"() ({
      %run_scoped3A = tpu.sem_alloc : memref<!tpu.dma_semaphore, #tpu.memory_space<semaphore_mem>>
      %dma_start3A_42 = arith.constant 0 : i32
      %dma_start3A_43 = tpu.memref_slice %arg12[%mul3A_4, %dma_start3A_42] : memref<10240x128xf32, #tpu.memory_space<vmem_shared>> -> memref<640x128xf32, #tpu.memory_space<vmem_shared>>
      tpu.enqueue_dma source(%arg5 : memref<640x128xf32, #tpu.memory_space<hbm>>) target(%dma_start3A_43 : memref<640x128xf32, #tpu.memory_space<vmem_shared>>) target_semaphore(%run_scoped3A : memref<!tpu.dma_semaphore, #tpu.memory_space<semaphore_mem>>)
      %dma_wait3A_44 = arith.constant 0 : i32
      %dma_wait3A_45 = tpu.memref_slice %arg12[%mul3A_4, %dma_wait3A_44] : memref<10240x128xf32, #tpu.memory_space<vmem_shared>> -> memref<640x128xf32, #tpu.memory_space<vmem_shared>>
      tpu.wait_dma2 semaphore(%run_scoped3A : memref<!tpu.dma_semaphore, #tpu.memory_space<semaphore_mem>>) src(%arg5 : memref<640x128xf32, #tpu.memory_space<hbm>>) dst(%dma_wait3A_45 : memref<640x128xf32, #tpu.memory_space<vmem_shared>>)
      tpu.yield
    }) : () -> ()
    "tpu.region"() ({
      %run_scoped3A = tpu.sem_alloc : memref<!tpu.dma_semaphore, #tpu.memory_space<semaphore_mem>>
      %dma_start3A_42 = arith.constant 0 : i32
      %dma_start3A_43 = tpu.memref_slice %arg4[%mul3A_2, %dma_start3A_42] : memref<2560x125xi32, #tpu.memory_space<hbm>> -> memref<80x125xi32, #tpu.memory_space<hbm>>
      %dma_start3A_44 = arith.constant 0 : i32
      %dma_start3A_45 = tpu.memref_slice %arg4[%mul3A_2, %dma_start3A_44] : memref<2560x125xi32, #tpu.memory_space<hbm>> -> memref<80x125xi32, #tpu.memory_space<hbm>>
      tpu.enqueue_dma source(%dma_start3A_45 : memref<80x125xi32, #tpu.memory_space<hbm>>) target(%arg9 : memref<80x125xi32, #tpu.memory_space<vmem>>) target_semaphore(%run_scoped3A : memref<!tpu.dma_semaphore, #tpu.memory_space<semaphore_mem>>)
      %dma_wait3A_46 = arith.constant 0 : i32
      %dma_wait3A_47 = tpu.memref_slice %arg4[%mul3A_2, %dma_wait3A_46] : memref<2560x125xi32, #tpu.memory_space<hbm>> -> memref<80x125xi32, #tpu.memory_space<hbm>>
      %dma_wait3A_48 = arith.constant 0 : i32
      %dma_wait3A_49 = tpu.memref_slice %arg4[%mul3A_2, %dma_wait3A_48] : memref<2560x125xi32, #tpu.memory_space<hbm>> -> memref<80x125xi32, #tpu.memory_space<hbm>>
      tpu.wait_dma2 semaphore(%run_scoped3A : memref<!tpu.dma_semaphore, #tpu.memory_space<semaphore_mem>>) src(%dma_wait3A_49 : memref<80x125xi32, #tpu.memory_space<hbm>>) dst(%arg9 : memref<80x125xi32, #tpu.memory_space<vmem>>)
      tpu.yield
    }) : () -> ()
    "tpu.region"() ({
      %run_scoped3A = tpu.sem_alloc : memref<!tpu.dma_semaphore, #tpu.memory_space<semaphore_mem>>
      %dma_start3A_42 = arith.constant 0 : i32
      %dma_start3A_43 = tpu.memref_slice %arg3[%mul3A_2, %dma_start3A_42] : memref<2560x125xi32, #tpu.memory_space<hbm>> -> memref<1x125xi32, #tpu.memory_space<hbm>>
      %dma_start3A_44 = arith.constant 0 : i32
      %dma_start3A_45 = tpu.memref_slice %arg3[%mul3A_2, %dma_start3A_44] : memref<2560x125xi32, #tpu.memory_space<hbm>> -> memref<1x125xi32, #tpu.memory_space<hbm>>
      tpu.enqueue_dma source(%dma_start3A_45 : memref<1x125xi32, #tpu.memory_space<hbm>>) target(%arg7 : memref<1x125xi32, #tpu.memory_space<vmem>>) target_semaphore(%run_scoped3A : memref<!tpu.dma_semaphore, #tpu.memory_space<semaphore_mem>>)
      %dma_wait3A_46 = arith.constant 0 : i32
      %dma_wait3A_47 = tpu.memref_slice %arg3[%mul3A_2, %dma_wait3A_46] : memref<2560x125xi32, #tpu.memory_space<hbm>> -> memref<1x125xi32, #tpu.memory_space<hbm>>
      %dma_wait3A_48 = arith.constant 0 : i32
      %dma_wait3A_49 = tpu.memref_slice %arg3[%mul3A_2, %dma_wait3A_48] : memref<2560x125xi32, #tpu.memory_space<hbm>> -> memref<1x125xi32, #tpu.memory_space<hbm>>
      tpu.wait_dma2 semaphore(%run_scoped3A : memref<!tpu.dma_semaphore, #tpu.memory_space<semaphore_mem>>) src(%dma_wait3A_49 : memref<1x125xi32, #tpu.memory_space<hbm>>) dst(%arg7 : memref<1x125xi32, #tpu.memory_space<vmem>>)
      tpu.yield
    }) : () -> ()
    %add3A_5 = arith.constant 1 : i32
    %add3A_6 = arith.addi %mul3A_2, %add3A_5 : i32
    "tpu.region"() ({
      %run_scoped3A = tpu.sem_alloc : memref<!tpu.dma_semaphore, #tpu.memory_space<semaphore_mem>>
      %dma_start3A_42 = arith.constant 0 : i32
      %dma_start3A_43 = tpu.memref_slice %arg3[%add3A_6, %dma_start3A_42] : memref<2560x125xi32, #tpu.memory_space<hbm>> -> memref<1x125xi32, #tpu.memory_space<hbm>>
      %dma_start3A_44 = arith.constant 0 : i32
      %dma_start3A_45 = tpu.memref_slice %arg3[%add3A_6, %dma_start3A_44] : memref<2560x125xi32, #tpu.memory_space<hbm>> -> memref<1x125xi32, #tpu.memory_space<hbm>>
      tpu.enqueue_dma source(%dma_start3A_45 : memref<1x125xi32, #tpu.memory_space<hbm>>) target(%arg8 : memref<1x125xi32, #tpu.memory_space<vmem>>) target_semaphore(%run_scoped3A : memref<!tpu.dma_semaphore, #tpu.memory_space<semaphore_mem>>)
      %dma_wait3A_46 = arith.constant 0 : i32
      %dma_wait3A_47 = tpu.memref_slice %arg3[%add3A_6, %dma_wait3A_46] : memref<2560x125xi32, #tpu.memory_space<hbm>> -> memref<1x125xi32, #tpu.memory_space<hbm>>
      %dma_wait3A_48 = arith.constant 0 : i32
      %dma_wait3A_49 = tpu.memref_slice %arg3[%add3A_6, %dma_wait3A_48] : memref<2560x125xi32, #tpu.memory_space<hbm>> -> memref<1x125xi32, #tpu.memory_space<hbm>>
      tpu.wait_dma2 semaphore(%run_scoped3A : memref<!tpu.dma_semaphore, #tpu.memory_space<semaphore_mem>>) src(%dma_wait3A_49 : memref<1x125xi32, #tpu.memory_space<hbm>>) dst(%arg8 : memref<1x125xi32, #tpu.memory_space<vmem>>)
      tpu.yield
    }) : () -> ()
    %barrier3A = arith.constant 0 : index
    tpu.barrier barrier_id(%barrier3A)
    %dma_start3A = arith.constant 0 : i32
    %dma_start3A_7 = arith.constant 0 : i32
    %dma_start3A_8 = tpu.memref_slice %arg7[%dma_start3A, %dma_start3A_7] : memref<1x125xi32, #tpu.memory_space<vmem>> -> memref<1x125xi32, #tpu.memory_space<vmem>>
    %dma_start3A_9 = tpu.memref_squeeze %dma_start3A_8 : memref<1x125xi32, #tpu.memory_space<vmem>> -> memref<125xi32, #tpu.memory_space<vmem>>
    %dma_start3A_10 = arith.constant 0 : i32
    %dma_start3A_11 = arith.constant 0 : i32
    %dma_start3A_12 = tpu.memref_slice %arg2[%dma_start3A_10, %dma_start3A_11] : memref<10000x128xf32, #tpu.memory_space<hbm>> -> memref<10000x128xf32, #tpu.memory_space<hbm>>
    tpu.enqueue_indirect_dma source(%dma_start3A_12 : memref<10000x128xf32, #tpu.memory_space<hbm>>) target(%arg10 : memref<125x128xf32, #tpu.memory_space<vmem>>) offsets(%dma_start3A_9 : memref<125xi32, #tpu.memory_space<vmem>>) semaphore(%arg13 : memref<!tpu.dma_semaphore, #tpu.memory_space<semaphore_mem>>)
    %dma_start3A_13 = arith.constant 0 : i32
    %dma_start3A_14 = arith.constant 0 : i32
    %dma_start3A_15 = tpu.memref_slice %arg8[%dma_start3A_13, %dma_start3A_14] : memref<1x125xi32, #tpu.memory_space<vmem>> -> memref<1x125xi32, #tpu.memory_space<vmem>>
    %dma_start3A_16 = tpu.memref_squeeze %dma_start3A_15 : memref<1x125xi32, #tpu.memory_space<vmem>> -> memref<125xi32, #tpu.memory_space<vmem>>
    %dma_start3A_17 = arith.constant 0 : i32
    %dma_start3A_18 = arith.constant 0 : i32
    %dma_start3A_19 = tpu.memref_slice %arg2[%dma_start3A_17, %dma_start3A_18] : memref<10000x128xf32, #tpu.memory_space<hbm>> -> memref<10000x128xf32, #tpu.memory_space<hbm>>
    tpu.enqueue_indirect_dma source(%dma_start3A_19 : memref<10000x128xf32, #tpu.memory_space<hbm>>) target(%arg11 : memref<125x128xf32, #tpu.memory_space<vmem>>) offsets(%dma_start3A_16 : memref<125xi32, #tpu.memory_space<vmem>>) semaphore(%arg14 : memref<!tpu.dma_semaphore, #tpu.memory_space<semaphore_mem>>)
    %scan3A = arith.constant 0 : i32
    %scan3A_20 = arith.constant 40 : i32
    %scan3A_21 = arith.addi %scan3A, %scan3A_20 : i32
    %scan3A_22 = arith.constant 1 : i32
    scf.for %scan3A_42 = %scan3A to %scan3A_21 step %scan3A_22  : i32 {
      %mul3A_43 = arith.constant 1 : i32
      %mul3A_44 = arith.muli %scan3A_42, %mul3A_43 : i32
      %add3A_45 = arith.constant 0 : i32
      %add3A_46 = arith.addi %add3A_45, %mul3A_44 : i32
      %mul3A_47 = arith.constant 2 : i32
      %mul3A_48 = arith.muli %mul3A_47, %add3A_46 : i32
      %dma_wait3A_49 = arith.constant 0 : i32
      %dma_wait3A_50 = arith.constant 0 : i32
      %dma_wait3A_51 = tpu.memref_slice %arg7[%dma_wait3A_49, %dma_wait3A_50] : memref<1x125xi32, #tpu.memory_space<vmem>> -> memref<1x125xi32, #tpu.memory_space<vmem>>
      %dma_wait3A_52 = tpu.memref_squeeze %dma_wait3A_51 : memref<1x125xi32, #tpu.memory_space<vmem>> -> memref<125xi32, #tpu.memory_space<vmem>>
      %dma_wait3A_53 = arith.constant 0 : i32
      %dma_wait3A_54 = arith.constant 0 : i32
      %dma_wait3A_55 = tpu.memref_slice %arg2[%dma_wait3A_53, %dma_wait3A_54] : memref<10000x128xf32, #tpu.memory_space<hbm>> -> memref<10000x128xf32, #tpu.memory_space<hbm>>
      tpu.wait_indirect_dma semaphore(%arg13 : memref<!tpu.dma_semaphore, #tpu.memory_space<semaphore_mem>>) src(%dma_wait3A_55 : memref<10000x128xf32, #tpu.memory_space<hbm>>) dst(%arg10 : memref<125x128xf32, #tpu.memory_space<vmem>>)
      %lt3A = arith.constant 39 : i32
      %lt3A_56 = arith.cmpi slt, %add3A_46, %lt3A : i32
      %convert_element_type3A = arith.extui %lt3A_56 : i1 to i32
      %cond3A = arith.constant 0 : i32
      %cond3A_57 = arith.cmpi ne, %convert_element_type3A, %cond3A : i32
      scf.if %cond3A_57 {
        %add3A_93 = arith.addi %mul3A_2, %mul3A_48 : i32
        %add3A_94 = arith.constant 2 : i32
        %add3A_95 = arith.addi %add3A_93, %add3A_94 : i32
        %dma_start3A_96 = arith.constant 0 : i32
        %dma_start3A_97 = tpu.memref_slice %arg3[%add3A_95, %dma_start3A_96] : memref<2560x125xi32, #tpu.memory_space<hbm>> -> memref<1x125xi32, #tpu.memory_space<hbm>>
        %dma_start3A_98 = arith.constant 0 : i32
        %dma_start3A_99 = tpu.memref_slice %arg3[%add3A_95, %dma_start3A_98] : memref<2560x125xi32, #tpu.memory_space<hbm>> -> memref<1x125xi32, #tpu.memory_space<hbm>>
        tpu.enqueue_dma source(%dma_start3A_99 : memref<1x125xi32, #tpu.memory_space<hbm>>) target(%arg7 : memref<1x125xi32, #tpu.memory_space<vmem>>) target_semaphore(%arg15 : memref<!tpu.dma_semaphore, #tpu.memory_space<semaphore_mem>>)
      } else {
      }
      %dma_start3A_58 = arith.constant 0 : i32
      %dma_start3A_59 = tpu.memref_slice %arg9[%mul3A_48, %dma_start3A_58] : memref<80x125xi32, #tpu.memory_space<vmem>> -> memref<1x125xi32, #tpu.memory_space<vmem>>
      %dma_start3A_60 = tpu.memref_squeeze %dma_start3A_59 : memref<1x125xi32, #tpu.memory_space<vmem>> -> memref<125xi32, #tpu.memory_space<vmem>>
      %dma_start3A_61 = arith.constant 0 : i32
      %dma_start3A_62 = arith.constant 0 : i32
      %dma_start3A_63 = tpu.memref_slice %arg12[%dma_start3A_61, %dma_start3A_62] : memref<10240x128xf32, #tpu.memory_space<vmem_shared>> -> memref<10240x128xf32, #tpu.memory_space<vmem_shared>>
      tpu.enqueue_indirect_dma source(%arg10 : memref<125x128xf32, #tpu.memory_space<vmem>>) target(%dma_start3A_63 : memref<10240x128xf32, #tpu.memory_space<vmem_shared>>) offsets(%dma_start3A_60 : memref<125xi32, #tpu.memory_space<vmem>>) semaphore(%arg17 : memref<!tpu.dma_semaphore, #tpu.memory_space<semaphore_mem>>) {add = true}
      %gt3A = arith.constant 0 : i32
      %gt3A_64 = arith.cmpi sgt, %add3A_46, %gt3A : i32
      %convert_element_type3A_65 = arith.extui %gt3A_64 : i1 to i32
      %cond3A_66 = arith.constant 0 : i32
      %cond3A_67 = arith.cmpi ne, %convert_element_type3A_65, %cond3A_66 : i32
      scf.if %cond3A_67 {
        %add3A_93 = arith.addi %mul3A_2, %mul3A_48 : i32
        %add3A_94 = arith.constant 1 : i32
        %add3A_95 = arith.addi %add3A_93, %add3A_94 : i32
        %dma_wait3A_96 = arith.constant 0 : i32
        %dma_wait3A_97 = tpu.memref_slice %arg3[%add3A_95, %dma_wait3A_96] : memref<2560x125xi32, #tpu.memory_space<hbm>> -> memref<1x125xi32, #tpu.memory_space<hbm>>
        %dma_wait3A_98 = arith.constant 0 : i32
        %dma_wait3A_99 = tpu.memref_slice %arg3[%add3A_95, %dma_wait3A_98] : memref<2560x125xi32, #tpu.memory_space<hbm>> -> memref<1x125xi32, #tpu.memory_space<hbm>>
        tpu.wait_dma2 semaphore(%arg16 : memref<!tpu.dma_semaphore, #tpu.memory_space<semaphore_mem>>) src(%dma_wait3A_99 : memref<1x125xi32, #tpu.memory_space<hbm>>) dst(%arg8 : memref<1x125xi32, #tpu.memory_space<vmem>>)
        %dma_wait3A_100 = arith.constant 0 : i32
        %dma_wait3A_101 = arith.constant 0 : i32
        %dma_wait3A_102 = tpu.memref_slice %arg9[%dma_wait3A_100, %dma_wait3A_101] : memref<80x125xi32, #tpu.memory_space<vmem>> -> memref<1x125xi32, #tpu.memory_space<vmem>>
        %dma_wait3A_103 = tpu.memref_squeeze %dma_wait3A_102 : memref<1x125xi32, #tpu.memory_space<vmem>> -> memref<125xi32, #tpu.memory_space<vmem>>
        %dma_wait3A_104 = arith.constant 0 : i32
        %dma_wait3A_105 = arith.constant 0 : i32
        %dma_wait3A_106 = tpu.memref_slice %arg12[%dma_wait3A_104, %dma_wait3A_105] : memref<10240x128xf32, #tpu.memory_space<vmem_shared>> -> memref<10240x128xf32, #tpu.memory_space<vmem_shared>>
        tpu.wait_indirect_dma semaphore(%arg18 : memref<!tpu.dma_semaphore, #tpu.memory_space<semaphore_mem>>) src(%arg11 : memref<125x128xf32, #tpu.memory_space<vmem>>) dst(%dma_wait3A_106 : memref<10240x128xf32, #tpu.memory_space<vmem_shared>>)
        %dma_start3A_107 = arith.constant 0 : i32
        %dma_start3A_108 = arith.constant 0 : i32
        %dma_start3A_109 = tpu.memref_slice %arg8[%dma_start3A_107, %dma_start3A_108] : memref<1x125xi32, #tpu.memory_space<vmem>> -> memref<1x125xi32, #tpu.memory_space<vmem>>
        %dma_start3A_110 = tpu.memref_squeeze %dma_start3A_109 : memref<1x125xi32, #tpu.memory_space<vmem>> -> memref<125xi32, #tpu.memory_space<vmem>>
        %dma_start3A_111 = arith.constant 0 : i32
        %dma_start3A_112 = arith.constant 0 : i32
        %dma_start3A_113 = tpu.memref_slice %arg2[%dma_start3A_111, %dma_start3A_112] : memref<10000x128xf32, #tpu.memory_space<hbm>> -> memref<10000x128xf32, #tpu.memory_space<hbm>>
        tpu.enqueue_indirect_dma source(%dma_start3A_113 : memref<10000x128xf32, #tpu.memory_space<hbm>>) target(%arg11 : memref<125x128xf32, #tpu.memory_space<vmem>>) offsets(%dma_start3A_110 : memref<125xi32, #tpu.memory_space<vmem>>) semaphore(%arg14 : memref<!tpu.dma_semaphore, #tpu.memory_space<semaphore_mem>>)
      } else {
      }
      %dma_wait3A_68 = arith.constant 0 : i32
      %dma_wait3A_69 = arith.constant 0 : i32
      %dma_wait3A_70 = tpu.memref_slice %arg8[%dma_wait3A_68, %dma_wait3A_69] : memref<1x125xi32, #tpu.memory_space<vmem>> -> memref<1x125xi32, #tpu.memory_space<vmem>>
      %dma_wait3A_71 = tpu.memref_squeeze %dma_wait3A_70 : memref<1x125xi32, #tpu.memory_space<vmem>> -> memref<125xi32, #tpu.memory_space<vmem>>
      %dma_wait3A_72 = arith.constant 0 : i32
      %dma_wait3A_73 = arith.constant 0 : i32
      %dma_wait3A_74 = tpu.memref_slice %arg2[%dma_wait3A_72, %dma_wait3A_73] : memref<10000x128xf32, #tpu.memory_space<hbm>> -> memref<10000x128xf32, #tpu.memory_space<hbm>>
      tpu.wait_indirect_dma semaphore(%arg14 : memref<!tpu.dma_semaphore, #tpu.memory_space<semaphore_mem>>) src(%dma_wait3A_74 : memref<10000x128xf32, #tpu.memory_space<hbm>>) dst(%arg11 : memref<125x128xf32, #tpu.memory_space<vmem>>)
      %lt3A_75 = arith.constant 39 : i32
      %lt3A_76 = arith.cmpi slt, %add3A_46, %lt3A_75 : i32
      %convert_element_type3A_77 = arith.extui %lt3A_76 : i1 to i32
      %cond3A_78 = arith.constant 0 : i32
      %cond3A_79 = arith.cmpi ne, %convert_element_type3A_77, %cond3A_78 : i32
      scf.if %cond3A_79 {
        %add3A_93 = arith.addi %mul3A_2, %mul3A_48 : i32
        %add3A_94 = arith.constant 3 : i32
        %add3A_95 = arith.addi %add3A_93, %add3A_94 : i32
        %dma_start3A_96 = arith.constant 0 : i32
        %dma_start3A_97 = tpu.memref_slice %arg3[%add3A_95, %dma_start3A_96] : memref<2560x125xi32, #tpu.memory_space<hbm>> -> memref<1x125xi32, #tpu.memory_space<hbm>>
        %dma_start3A_98 = arith.constant 0 : i32
        %dma_start3A_99 = tpu.memref_slice %arg3[%add3A_95, %dma_start3A_98] : memref<2560x125xi32, #tpu.memory_space<hbm>> -> memref<1x125xi32, #tpu.memory_space<hbm>>
        tpu.enqueue_dma source(%dma_start3A_99 : memref<1x125xi32, #tpu.memory_space<hbm>>) target(%arg8 : memref<1x125xi32, #tpu.memory_space<vmem>>) target_semaphore(%arg16 : memref<!tpu.dma_semaphore, #tpu.memory_space<semaphore_mem>>)
      } else {
      }
      %add3A_80 = arith.constant 1 : i32
      %add3A_81 = arith.addi %mul3A_48, %add3A_80 : i32
      %dma_start3A_82 = arith.constant 0 : i32
      %dma_start3A_83 = tpu.memref_slice %arg9[%add3A_81, %dma_start3A_82] : memref<80x125xi32, #tpu.memory_space<vmem>> -> memref<1x125xi32, #tpu.memory_space<vmem>>
      %dma_start3A_84 = tpu.memref_squeeze %dma_start3A_83 : memref<1x125xi32, #tpu.memory_space<vmem>> -> memref<125xi32, #tpu.memory_space<vmem>>
      %dma_start3A_85 = arith.constant 0 : i32
      %dma_start3A_86 = arith.constant 0 : i32
      %dma_start3A_87 = tpu.memref_slice %arg12[%dma_start3A_85, %dma_start3A_86] : memref<10240x128xf32, #tpu.memory_space<vmem_shared>> -> memref<10240x128xf32, #tpu.memory_space<vmem_shared>>
      tpu.enqueue_indirect_dma source(%arg11 : memref<125x128xf32, #tpu.memory_space<vmem>>) target(%dma_start3A_87 : memref<10240x128xf32, #tpu.memory_space<vmem_shared>>) offsets(%dma_start3A_84 : memref<125xi32, #tpu.memory_space<vmem>>) semaphore(%arg18 : memref<!tpu.dma_semaphore, #tpu.memory_space<semaphore_mem>>) {add = true}
      %lt3A_88 = arith.constant 39 : i32
      %lt3A_89 = arith.cmpi slt, %add3A_46, %lt3A_88 : i32
      %convert_element_type3A_90 = arith.extui %lt3A_89 : i1 to i32
      %cond3A_91 = arith.constant 0 : i32
      %cond3A_92 = arith.cmpi ne, %convert_element_type3A_90, %cond3A_91 : i32
      scf.if %cond3A_92 {
        %add3A_93 = arith.addi %mul3A_2, %mul3A_48 : i32
        %add3A_94 = arith.constant 2 : i32
        %add3A_95 = arith.addi %add3A_93, %add3A_94 : i32
        %dma_wait3A_96 = arith.constant 0 : i32
        %dma_wait3A_97 = tpu.memref_slice %arg3[%add3A_95, %dma_wait3A_96] : memref<2560x125xi32, #tpu.memory_space<hbm>> -> memref<1x125xi32, #tpu.memory_space<hbm>>
        %dma_wait3A_98 = arith.constant 0 : i32
        %dma_wait3A_99 = tpu.memref_slice %arg3[%add3A_95, %dma_wait3A_98] : memref<2560x125xi32, #tpu.memory_space<hbm>> -> memref<1x125xi32, #tpu.memory_space<hbm>>
        tpu.wait_dma2 semaphore(%arg15 : memref<!tpu.dma_semaphore, #tpu.memory_space<semaphore_mem>>) src(%dma_wait3A_99 : memref<1x125xi32, #tpu.memory_space<hbm>>) dst(%arg7 : memref<1x125xi32, #tpu.memory_space<vmem>>)
        %dma_wait3A_100 = arith.constant 0 : i32
        %dma_wait3A_101 = arith.constant 0 : i32
        %dma_wait3A_102 = tpu.memref_slice %arg9[%dma_wait3A_100, %dma_wait3A_101] : memref<80x125xi32, #tpu.memory_space<vmem>> -> memref<1x125xi32, #tpu.memory_space<vmem>>
        %dma_wait3A_103 = tpu.memref_squeeze %dma_wait3A_102 : memref<1x125xi32, #tpu.memory_space<vmem>> -> memref<125xi32, #tpu.memory_space<vmem>>
        %dma_wait3A_104 = arith.constant 0 : i32
        %dma_wait3A_105 = arith.constant 0 : i32
        %dma_wait3A_106 = tpu.memref_slice %arg12[%dma_wait3A_104, %dma_wait3A_105] : memref<10240x128xf32, #tpu.memory_space<vmem_shared>> -> memref<10240x128xf32, #tpu.memory_space<vmem_shared>>
        tpu.wait_indirect_dma semaphore(%arg17 : memref<!tpu.dma_semaphore, #tpu.memory_space<semaphore_mem>>) src(%arg10 : memref<125x128xf32, #tpu.memory_space<vmem>>) dst(%dma_wait3A_106 : memref<10240x128xf32, #tpu.memory_space<vmem_shared>>)
        %dma_start3A_107 = arith.constant 0 : i32
        %dma_start3A_108 = arith.constant 0 : i32
        %dma_start3A_109 = tpu.memref_slice %arg7[%dma_start3A_107, %dma_start3A_108] : memref<1x125xi32, #tpu.memory_space<vmem>> -> memref<1x125xi32, #tpu.memory_space<vmem>>
        %dma_start3A_110 = tpu.memref_squeeze %dma_start3A_109 : memref<1x125xi32, #tpu.memory_space<vmem>> -> memref<125xi32, #tpu.memory_space<vmem>>
        %dma_start3A_111 = arith.constant 0 : i32
        %dma_start3A_112 = arith.constant 0 : i32
        %dma_start3A_113 = tpu.memref_slice %arg2[%dma_start3A_111, %dma_start3A_112] : memref<10000x128xf32, #tpu.memory_space<hbm>> -> memref<10000x128xf32, #tpu.memory_space<hbm>>
        tpu.enqueue_indirect_dma source(%dma_start3A_113 : memref<10000x128xf32, #tpu.memory_space<hbm>>) target(%arg10 : memref<125x128xf32, #tpu.memory_space<vmem>>) offsets(%dma_start3A_110 : memref<125xi32, #tpu.memory_space<vmem>>) semaphore(%arg13 : memref<!tpu.dma_semaphore, #tpu.memory_space<semaphore_mem>>)
      } else {
      }
    }
    %scan3A_23 = arith.constant 40 : i32
    %dma_wait3A = arith.constant 0 : i32
    %dma_wait3A_24 = arith.constant 0 : i32
    %dma_wait3A_25 = tpu.memref_slice %arg9[%dma_wait3A, %dma_wait3A_24] : memref<80x125xi32, #tpu.memory_space<vmem>> -> memref<1x125xi32, #tpu.memory_space<vmem>>
    %dma_wait3A_26 = tpu.memref_squeeze %dma_wait3A_25 : memref<1x125xi32, #tpu.memory_space<vmem>> -> memref<125xi32, #tpu.memory_space<vmem>>
    %dma_wait3A_27 = arith.constant 0 : i32
    %dma_wait3A_28 = arith.constant 0 : i32
    %dma_wait3A_29 = tpu.memref_slice %arg12[%dma_wait3A_27, %dma_wait3A_28] : memref<10240x128xf32, #tpu.memory_space<vmem_shared>> -> memref<10240x128xf32, #tpu.memory_space<vmem_shared>>
    tpu.wait_indirect_dma semaphore(%arg17 : memref<!tpu.dma_semaphore, #tpu.memory_space<semaphore_mem>>) src(%arg10 : memref<125x128xf32, #tpu.memory_space<vmem>>) dst(%dma_wait3A_29 : memref<10240x128xf32, #tpu.memory_space<vmem_shared>>)
    %dma_wait3A_30 = arith.constant 0 : i32
    %dma_wait3A_31 = arith.constant 0 : i32
    %dma_wait3A_32 = tpu.memref_slice %arg9[%dma_wait3A_30, %dma_wait3A_31] : memref<80x125xi32, #tpu.memory_space<vmem>> -> memref<1x125xi32, #tpu.memory_space<vmem>>
    %dma_wait3A_33 = tpu.memref_squeeze %dma_wait3A_32 : memref<1x125xi32, #tpu.memory_space<vmem>> -> memref<125xi32, #tpu.memory_space<vmem>>
    %dma_wait3A_34 = arith.constant 0 : i32
    %dma_wait3A_35 = arith.constant 0 : i32
    %dma_wait3A_36 = tpu.memref_slice %arg12[%dma_wait3A_34, %dma_wait3A_35] : memref<10240x128xf32, #tpu.memory_space<vmem_shared>> -> memref<10240x128xf32, #tpu.memory_space<vmem_shared>>
    tpu.wait_indirect_dma semaphore(%arg18 : memref<!tpu.dma_semaphore, #tpu.memory_space<semaphore_mem>>) src(%arg11 : memref<125x128xf32, #tpu.memory_space<vmem>>) dst(%dma_wait3A_36 : memref<10240x128xf32, #tpu.memory_space<vmem_shared>>)
    %barrier3A_37 = arith.constant 0 : index
    tpu.barrier barrier_id(%barrier3A_37)
    %mul3A_38 = arith.constant 640 : i32
    %mul3A_39 = arith.muli %arg1, %mul3A_38 : i32
    %mul3A_40 = arith.constant 640 : i32
    %mul3A_41 = arith.muli %arg1, %mul3A_40 : i32
    "tpu.region"() ({
      %run_scoped3A = tpu.sem_alloc : memref<!tpu.dma_semaphore, #tpu.memory_space<semaphore_mem>>
      %dma_start3A_42 = arith.constant 0 : i32
      %dma_start3A_43 = tpu.memref_slice %arg6[%arg0, %mul3A_41, %dma_start3A_42] : memref<2x10240x128xf32, #tpu.memory_space<hbm>> -> memref<1x640x128xf32, #tpu.memory_space<hbm>>
      %dma_start3A_44 = tpu.memref_squeeze %dma_start3A_43 : memref<1x640x128xf32, #tpu.memory_space<hbm>> -> memref<640x128xf32, #tpu.memory_space<hbm>>
      %dma_start3A_45 = arith.constant 0 : i32
      %dma_start3A_46 = tpu.memref_slice %arg12[%mul3A_39, %dma_start3A_45] : memref<10240x128xf32, #tpu.memory_space<vmem_shared>> -> memref<640x128xf32, #tpu.memory_space<vmem_shared>>
      tpu.enqueue_dma source(%dma_start3A_46 : memref<640x128xf32, #tpu.memory_space<vmem_shared>>) target(%dma_start3A_44 : memref<640x128xf32, #tpu.memory_space<hbm>>) target_semaphore(%run_scoped3A : memref<!tpu.dma_semaphore, #tpu.memory_space<semaphore_mem>>)
      %dma_wait3A_47 = arith.constant 0 : i32
      %dma_wait3A_48 = tpu.memref_slice %arg6[%arg0, %mul3A_41, %dma_wait3A_47] : memref<2x10240x128xf32, #tpu.memory_space<hbm>> -> memref<1x640x128xf32, #tpu.memory_space<hbm>>
      %dma_wait3A_49 = tpu.memref_squeeze %dma_wait3A_48 : memref<1x640x128xf32, #tpu.memory_space<hbm>> -> memref<640x128xf32, #tpu.memory_space<hbm>>
      %dma_wait3A_50 = arith.constant 0 : i32
      %dma_wait3A_51 = tpu.memref_slice %arg12[%mul3A_39, %dma_wait3A_50] : memref<10240x128xf32, #tpu.memory_space<vmem_shared>> -> memref<640x128xf32, #tpu.memory_space<vmem_shared>>
      tpu.wait_dma2 semaphore(%run_scoped3A : memref<!tpu.dma_semaphore, #tpu.memory_space<semaphore_mem>>) src(%dma_wait3A_51 : memref<640x128xf32, #tpu.memory_space<vmem_shared>>) dst(%dma_wait3A_49 : memref<640x128xf32, #tpu.memory_space<hbm>>)
      tpu.yield
    }) : () -> ()
    return
  }
}

#map = affine_map<(d0, d1) -> (0, 0)>
#map1 = affine_map<(d0, d1) -> (0, 0, 0)>
module attributes {stable_mosaic.version = 14 : i64} {
  func.func @_agg_body(%arg0: i32, %arg1: i32, %arg2: memref<10000x128xf32, #tpu.memory_space<hbm>>, %arg3: memref<2560x125xi32, #tpu.memory_space<hbm>>, %arg4: memref<2560x125xi32, #tpu.memory_space<hbm>>, %arg5: memref<640x128xf32, #tpu.memory_space<hbm>>, %arg6: memref<2x10240x128xf32, #tpu.memory_space<hbm>>, %arg7: memref<1x125xi32, #tpu.memory_space<vmem>>, %arg8: memref<1x125xi32, #tpu.memory_space<vmem>>, %arg9: memref<80x125xi32, #tpu.memory_space<vmem>>, %arg10: memref<125x128xf32, #tpu.memory_space<vmem>>, %arg11: memref<125x128xf32, #tpu.memory_space<vmem>>, %arg12: memref<10240x128xf32, #tpu.memory_space<vmem_shared>>, %arg13: memref<!tpu.dma_semaphore, #tpu.memory_space<semaphore_mem>>, %arg14: memref<!tpu.dma_semaphore, #tpu.memory_space<semaphore_mem>>, %arg15: memref<!tpu.dma_semaphore, #tpu.memory_space<semaphore_mem>>, %arg16: memref<!tpu.dma_semaphore, #tpu.memory_space<semaphore_mem>>, %arg17: memref<!tpu.dma_semaphore, #tpu.memory_space<semaphore_mem>>, %arg18: memref<!tpu.dma_semaphore, #tpu.memory_space<semaphore_mem>>) attributes {dimension_semantics = [#tpu.dimension_semantics<core_parallel>, #tpu.dimension_semantics<subcore_parallel>], iteration_bounds = array<i64: 2, 16>, scalar_prefetch = 0 : i64, scratch_operands = 12 : i64, tpu.core_type = #tpu.core_type<sc_vector_subcore>, window_params = [{transform_indices = #map}, {transform_indices = #map}, {transform_indices = #map}, {transform_indices = #map}, {transform_indices = #map1}]} {
    %mul3A = arith.constant 16 : i32
    %mul3A_0 = arith.muli %arg0, %mul3A : i32
    %add3A = arith.addi %mul3A_0, %arg1 : i32
    %mul3A_1 = arith.constant 80 : i32
    %mul3A_2 = arith.muli %add3A, %mul3A_1 : i32
    %mul3A_3 = arith.constant 640 : i32
    %mul3A_4 = arith.muli %arg1, %mul3A_3 : i32
    "tpu.region"() ({
      %run_scoped3A = tpu.sem_alloc : memref<!tpu.dma_semaphore, #tpu.memory_space<semaphore_mem>>
      %dma_start3A_42 = arith.constant 0 : i32
      %dma_start3A_43 = tpu.memref_slice %arg12[%mul3A_4, %dma_start3A_42] : memref<10240x128xf32, #tpu.memory_space<vmem_shared>> -> memref<640x128xf32, #tpu.memory_space<vmem_shared>>
      tpu.enqueue_dma source(%arg5 : memref<640x128xf32, #tpu.memory_space<hbm>>) target(%dma_start3A_43 : memref<640x128xf32, #tpu.memory_space<vmem_shared>>) target_semaphore(%run_scoped3A : memref<!tpu.dma_semaphore, #tpu.memory_space<semaphore_mem>>)
      %dma_wait3A_44 = arith.constant 0 : i32
      %dma_wait3A_45 = tpu.memref_slice %arg12[%mul3A_4, %dma_wait3A_44] : memref<10240x128xf32, #tpu.memory_space<vmem_shared>> -> memref<640x128xf32, #tpu.memory_space<vmem_shared>>
      tpu.wait_dma2 semaphore(%run_scoped3A : memref<!tpu.dma_semaphore, #tpu.memory_space<semaphore_mem>>) src(%arg5 : memref<640x128xf32, #tpu.memory_space<hbm>>) dst(%dma_wait3A_45 : memref<640x128xf32, #tpu.memory_space<vmem_shared>>)
      tpu.yield
    }) : () -> ()
    "tpu.region"() ({
      %run_scoped3A = tpu.sem_alloc : memref<!tpu.dma_semaphore, #tpu.memory_space<semaphore_mem>>
      %dma_start3A_42 = arith.constant 0 : i32
      %dma_start3A_43 = tpu.memref_slice %arg4[%mul3A_2, %dma_start3A_42] : memref<2560x125xi32, #tpu.memory_space<hbm>> -> memref<80x125xi32, #tpu.memory_space<hbm>>
      %dma_start3A_44 = arith.constant 0 : i32
      %dma_start3A_45 = tpu.memref_slice %arg4[%mul3A_2, %dma_start3A_44] : memref<2560x125xi32, #tpu.memory_space<hbm>> -> memref<80x125xi32, #tpu.memory_space<hbm>>
      tpu.enqueue_dma source(%dma_start3A_45 : memref<80x125xi32, #tpu.memory_space<hbm>>) target(%arg9 : memref<80x125xi32, #tpu.memory_space<vmem>>) target_semaphore(%run_scoped3A : memref<!tpu.dma_semaphore, #tpu.memory_space<semaphore_mem>>)
      %dma_wait3A_46 = arith.constant 0 : i32
      %dma_wait3A_47 = tpu.memref_slice %arg4[%mul3A_2, %dma_wait3A_46] : memref<2560x125xi32, #tpu.memory_space<hbm>> -> memref<80x125xi32, #tpu.memory_space<hbm>>
      %dma_wait3A_48 = arith.constant 0 : i32
      %dma_wait3A_49 = tpu.memref_slice %arg4[%mul3A_2, %dma_wait3A_48] : memref<2560x125xi32, #tpu.memory_space<hbm>> -> memref<80x125xi32, #tpu.memory_space<hbm>>
      tpu.wait_dma2 semaphore(%run_scoped3A : memref<!tpu.dma_semaphore, #tpu.memory_space<semaphore_mem>>) src(%dma_wait3A_49 : memref<80x125xi32, #tpu.memory_space<hbm>>) dst(%arg9 : memref<80x125xi32, #tpu.memory_space<vmem>>)
      tpu.yield
    }) : () -> ()
    "tpu.region"() ({
      %run_scoped3A = tpu.sem_alloc : memref<!tpu.dma_semaphore, #tpu.memory_space<semaphore_mem>>
      %dma_start3A_42 = arith.constant 0 : i32
      %dma_start3A_43 = tpu.memref_slice %arg3[%mul3A_2, %dma_start3A_42] : memref<2560x125xi32, #tpu.memory_space<hbm>> -> memref<1x125xi32, #tpu.memory_space<hbm>>
      %dma_start3A_44 = arith.constant 0 : i32
      %dma_start3A_45 = tpu.memref_slice %arg3[%mul3A_2, %dma_start3A_44] : memref<2560x125xi32, #tpu.memory_space<hbm>> -> memref<1x125xi32, #tpu.memory_space<hbm>>
      tpu.enqueue_dma source(%dma_start3A_45 : memref<1x125xi32, #tpu.memory_space<hbm>>) target(%arg7 : memref<1x125xi32, #tpu.memory_space<vmem>>) target_semaphore(%run_scoped3A : memref<!tpu.dma_semaphore, #tpu.memory_space<semaphore_mem>>)
      %dma_wait3A_46 = arith.constant 0 : i32
      %dma_wait3A_47 = tpu.memref_slice %arg3[%mul3A_2, %dma_wait3A_46] : memref<2560x125xi32, #tpu.memory_space<hbm>> -> memref<1x125xi32, #tpu.memory_space<hbm>>
      %dma_wait3A_48 = arith.constant 0 : i32
      %dma_wait3A_49 = tpu.memref_slice %arg3[%mul3A_2, %dma_wait3A_48] : memref<2560x125xi32, #tpu.memory_space<hbm>> -> memref<1x125xi32, #tpu.memory_space<hbm>>
      tpu.wait_dma2 semaphore(%run_scoped3A : memref<!tpu.dma_semaphore, #tpu.memory_space<semaphore_mem>>) src(%dma_wait3A_49 : memref<1x125xi32, #tpu.memory_space<hbm>>) dst(%arg7 : memref<1x125xi32, #tpu.memory_space<vmem>>)
      tpu.yield
    }) : () -> ()
    %add3A_5 = arith.constant 1 : i32
    %add3A_6 = arith.addi %mul3A_2, %add3A_5 : i32
    "tpu.region"() ({
      %run_scoped3A = tpu.sem_alloc : memref<!tpu.dma_semaphore, #tpu.memory_space<semaphore_mem>>
      %dma_start3A_42 = arith.constant 0 : i32
      %dma_start3A_43 = tpu.memref_slice %arg3[%add3A_6, %dma_start3A_42] : memref<2560x125xi32, #tpu.memory_space<hbm>> -> memref<1x125xi32, #tpu.memory_space<hbm>>
      %dma_start3A_44 = arith.constant 0 : i32
      %dma_start3A_45 = tpu.memref_slice %arg3[%add3A_6, %dma_start3A_44] : memref<2560x125xi32, #tpu.memory_space<hbm>> -> memref<1x125xi32, #tpu.memory_space<hbm>>
      tpu.enqueue_dma source(%dma_start3A_45 : memref<1x125xi32, #tpu.memory_space<hbm>>) target(%arg8 : memref<1x125xi32, #tpu.memory_space<vmem>>) target_semaphore(%run_scoped3A : memref<!tpu.dma_semaphore, #tpu.memory_space<semaphore_mem>>)
      %dma_wait3A_46 = arith.constant 0 : i32
      %dma_wait3A_47 = tpu.memref_slice %arg3[%add3A_6, %dma_wait3A_46] : memref<2560x125xi32, #tpu.memory_space<hbm>> -> memref<1x125xi32, #tpu.memory_space<hbm>>
      %dma_wait3A_48 = arith.constant 0 : i32
      %dma_wait3A_49 = tpu.memref_slice %arg3[%add3A_6, %dma_wait3A_48] : memref<2560x125xi32, #tpu.memory_space<hbm>> -> memref<1x125xi32, #tpu.memory_space<hbm>>
      tpu.wait_dma2 semaphore(%run_scoped3A : memref<!tpu.dma_semaphore, #tpu.memory_space<semaphore_mem>>) src(%dma_wait3A_49 : memref<1x125xi32, #tpu.memory_space<hbm>>) dst(%arg8 : memref<1x125xi32, #tpu.memory_space<vmem>>)
      tpu.yield
    }) : () -> ()
    %barrier3A = arith.constant 0 : index
    tpu.barrier barrier_id(%barrier3A)
    %dma_start3A = arith.constant 0 : i32
    %dma_start3A_7 = arith.constant 0 : i32
    %dma_start3A_8 = tpu.memref_slice %arg7[%dma_start3A, %dma_start3A_7] : memref<1x125xi32, #tpu.memory_space<vmem>> -> memref<1x125xi32, #tpu.memory_space<vmem>>
    %dma_start3A_9 = tpu.memref_squeeze %dma_start3A_8 : memref<1x125xi32, #tpu.memory_space<vmem>> -> memref<125xi32, #tpu.memory_space<vmem>>
    %dma_start3A_10 = arith.constant 0 : i32
    %dma_start3A_11 = arith.constant 0 : i32
    %dma_start3A_12 = tpu.memref_slice %arg2[%dma_start3A_10, %dma_start3A_11] : memref<10000x128xf32, #tpu.memory_space<hbm>> -> memref<10000x128xf32, #tpu.memory_space<hbm>>
    tpu.enqueue_indirect_dma source(%dma_start3A_12 : memref<10000x128xf32, #tpu.memory_space<hbm>>) target(%arg10 : memref<125x128xf32, #tpu.memory_space<vmem>>) offsets(%dma_start3A_9 : memref<125xi32, #tpu.memory_space<vmem>>) semaphore(%arg13 : memref<!tpu.dma_semaphore, #tpu.memory_space<semaphore_mem>>)
    %dma_start3A_13 = arith.constant 0 : i32
    %dma_start3A_14 = arith.constant 0 : i32
    %dma_start3A_15 = tpu.memref_slice %arg8[%dma_start3A_13, %dma_start3A_14] : memref<1x125xi32, #tpu.memory_space<vmem>> -> memref<1x125xi32, #tpu.memory_space<vmem>>
    %dma_start3A_16 = tpu.memref_squeeze %dma_start3A_15 : memref<1x125xi32, #tpu.memory_space<vmem>> -> memref<125xi32, #tpu.memory_space<vmem>>
    %dma_start3A_17 = arith.constant 0 : i32
    %dma_start3A_18 = arith.constant 0 : i32
    %dma_start3A_19 = tpu.memref_slice %arg2[%dma_start3A_17, %dma_start3A_18] : memref<10000x128xf32, #tpu.memory_space<hbm>> -> memref<10000x128xf32, #tpu.memory_space<hbm>>
    tpu.enqueue_indirect_dma source(%dma_start3A_19 : memref<10000x128xf32, #tpu.memory_space<hbm>>) target(%arg11 : memref<125x128xf32, #tpu.memory_space<vmem>>) offsets(%dma_start3A_16 : memref<125xi32, #tpu.memory_space<vmem>>) semaphore(%arg14 : memref<!tpu.dma_semaphore, #tpu.memory_space<semaphore_mem>>)
    %scan3A = arith.constant 0 : i32
    %scan3A_20 = arith.constant 40 : i32
    %scan3A_21 = arith.addi %scan3A, %scan3A_20 : i32
    %scan3A_22 = arith.constant 1 : i32
    scf.for %scan3A_42 = %scan3A to %scan3A_21 step %scan3A_22  : i32 {
      %mul3A_43 = arith.constant 1 : i32
      %mul3A_44 = arith.muli %scan3A_42, %mul3A_43 : i32
      %add3A_45 = arith.constant 0 : i32
      %add3A_46 = arith.addi %add3A_45, %mul3A_44 : i32
      %mul3A_47 = arith.constant 2 : i32
      %mul3A_48 = arith.muli %mul3A_47, %add3A_46 : i32
      %dma_wait3A_49 = arith.constant 0 : i32
      %dma_wait3A_50 = arith.constant 0 : i32
      %dma_wait3A_51 = tpu.memref_slice %arg7[%dma_wait3A_49, %dma_wait3A_50] : memref<1x125xi32, #tpu.memory_space<vmem>> -> memref<1x125xi32, #tpu.memory_space<vmem>>
      %dma_wait3A_52 = tpu.memref_squeeze %dma_wait3A_51 : memref<1x125xi32, #tpu.memory_space<vmem>> -> memref<125xi32, #tpu.memory_space<vmem>>
      %dma_wait3A_53 = arith.constant 0 : i32
      %dma_wait3A_54 = arith.constant 0 : i32
      %dma_wait3A_55 = tpu.memref_slice %arg2[%dma_wait3A_53, %dma_wait3A_54] : memref<10000x128xf32, #tpu.memory_space<hbm>> -> memref<10000x128xf32, #tpu.memory_space<hbm>>
      tpu.wait_indirect_dma semaphore(%arg13 : memref<!tpu.dma_semaphore, #tpu.memory_space<semaphore_mem>>) src(%dma_wait3A_55 : memref<10000x128xf32, #tpu.memory_space<hbm>>) dst(%arg10 : memref<125x128xf32, #tpu.memory_space<vmem>>)
      %lt3A = arith.constant 39 : i32
      %lt3A_56 = arith.cmpi slt, %add3A_46, %lt3A : i32
      %convert_element_type3A = arith.extui %lt3A_56 : i1 to i32
      %cond3A = arith.constant 0 : i32
      %cond3A_57 = arith.cmpi ne, %convert_element_type3A, %cond3A : i32
      scf.if %cond3A_57 {
        %add3A_93 = arith.addi %mul3A_2, %mul3A_48 : i32
        %add3A_94 = arith.constant 2 : i32
        %add3A_95 = arith.addi %add3A_93, %add3A_94 : i32
        %dma_start3A_96 = arith.constant 0 : i32
        %dma_start3A_97 = tpu.memref_slice %arg3[%add3A_95, %dma_start3A_96] : memref<2560x125xi32, #tpu.memory_space<hbm>> -> memref<1x125xi32, #tpu.memory_space<hbm>>
        %dma_start3A_98 = arith.constant 0 : i32
        %dma_start3A_99 = tpu.memref_slice %arg3[%add3A_95, %dma_start3A_98] : memref<2560x125xi32, #tpu.memory_space<hbm>> -> memref<1x125xi32, #tpu.memory_space<hbm>>
        tpu.enqueue_dma source(%dma_start3A_99 : memref<1x125xi32, #tpu.memory_space<hbm>>) target(%arg7 : memref<1x125xi32, #tpu.memory_space<vmem>>) target_semaphore(%arg15 : memref<!tpu.dma_semaphore, #tpu.memory_space<semaphore_mem>>)
      } else {
      }
      %dma_start3A_58 = arith.constant 0 : i32
      %dma_start3A_59 = tpu.memref_slice %arg9[%mul3A_48, %dma_start3A_58] : memref<80x125xi32, #tpu.memory_space<vmem>> -> memref<1x125xi32, #tpu.memory_space<vmem>>
      %dma_start3A_60 = tpu.memref_squeeze %dma_start3A_59 : memref<1x125xi32, #tpu.memory_space<vmem>> -> memref<125xi32, #tpu.memory_space<vmem>>
      %dma_start3A_61 = arith.constant 0 : i32
      %dma_start3A_62 = arith.constant 0 : i32
      %dma_start3A_63 = tpu.memref_slice %arg12[%dma_start3A_61, %dma_start3A_62] : memref<10240x128xf32, #tpu.memory_space<vmem_shared>> -> memref<10240x128xf32, #tpu.memory_space<vmem_shared>>
      tpu.enqueue_indirect_dma source(%arg10 : memref<125x128xf32, #tpu.memory_space<vmem>>) target(%dma_start3A_63 : memref<10240x128xf32, #tpu.memory_space<vmem_shared>>) offsets(%dma_start3A_60 : memref<125xi32, #tpu.memory_space<vmem>>) semaphore(%arg17 : memref<!tpu.dma_semaphore, #tpu.memory_space<semaphore_mem>>) {add = true}
      %gt3A = arith.constant 0 : i32
      %gt3A_64 = arith.cmpi sgt, %add3A_46, %gt3A : i32
      %convert_element_type3A_65 = arith.extui %gt3A_64 : i1 to i32
      %cond3A_66 = arith.constant 0 : i32
      %cond3A_67 = arith.cmpi ne, %convert_element_type3A_65, %cond3A_66 : i32
      scf.if %cond3A_67 {
        %add3A_93 = arith.addi %mul3A_2, %mul3A_48 : i32
        %add3A_94 = arith.constant 1 : i32
        %add3A_95 = arith.addi %add3A_93, %add3A_94 : i32
        %dma_wait3A_96 = arith.constant 0 : i32
        %dma_wait3A_97 = tpu.memref_slice %arg3[%add3A_95, %dma_wait3A_96] : memref<2560x125xi32, #tpu.memory_space<hbm>> -> memref<1x125xi32, #tpu.memory_space<hbm>>
        %dma_wait3A_98 = arith.constant 0 : i32
        %dma_wait3A_99 = tpu.memref_slice %arg3[%add3A_95, %dma_wait3A_98] : memref<2560x125xi32, #tpu.memory_space<hbm>> -> memref<1x125xi32, #tpu.memory_space<hbm>>
        tpu.wait_dma2 semaphore(%arg16 : memref<!tpu.dma_semaphore, #tpu.memory_space<semaphore_mem>>) src(%dma_wait3A_99 : memref<1x125xi32, #tpu.memory_space<hbm>>) dst(%arg8 : memref<1x125xi32, #tpu.memory_space<vmem>>)
        %dma_wait3A_100 = arith.constant 0 : i32
        %dma_wait3A_101 = arith.constant 0 : i32
        %dma_wait3A_102 = tpu.memref_slice %arg9[%dma_wait3A_100, %dma_wait3A_101] : memref<80x125xi32, #tpu.memory_space<vmem>> -> memref<1x125xi32, #tpu.memory_space<vmem>>
        %dma_wait3A_103 = tpu.memref_squeeze %dma_wait3A_102 : memref<1x125xi32, #tpu.memory_space<vmem>> -> memref<125xi32, #tpu.memory_space<vmem>>
        %dma_wait3A_104 = arith.constant 0 : i32
        %dma_wait3A_105 = arith.constant 0 : i32
        %dma_wait3A_106 = tpu.memref_slice %arg12[%dma_wait3A_104, %dma_wait3A_105] : memref<10240x128xf32, #tpu.memory_space<vmem_shared>> -> memref<10240x128xf32, #tpu.memory_space<vmem_shared>>
        tpu.wait_indirect_dma semaphore(%arg18 : memref<!tpu.dma_semaphore, #tpu.memory_space<semaphore_mem>>) src(%arg11 : memref<125x128xf32, #tpu.memory_space<vmem>>) dst(%dma_wait3A_106 : memref<10240x128xf32, #tpu.memory_space<vmem_shared>>)
        %dma_start3A_107 = arith.constant 0 : i32
        %dma_start3A_108 = arith.constant 0 : i32
        %dma_start3A_109 = tpu.memref_slice %arg8[%dma_start3A_107, %dma_start3A_108] : memref<1x125xi32, #tpu.memory_space<vmem>> -> memref<1x125xi32, #tpu.memory_space<vmem>>
        %dma_start3A_110 = tpu.memref_squeeze %dma_start3A_109 : memref<1x125xi32, #tpu.memory_space<vmem>> -> memref<125xi32, #tpu.memory_space<vmem>>
        %dma_start3A_111 = arith.constant 0 : i32
        %dma_start3A_112 = arith.constant 0 : i32
        %dma_start3A_113 = tpu.memref_slice %arg2[%dma_start3A_111, %dma_start3A_112] : memref<10000x128xf32, #tpu.memory_space<hbm>> -> memref<10000x128xf32, #tpu.memory_space<hbm>>
        tpu.enqueue_indirect_dma source(%dma_start3A_113 : memref<10000x128xf32, #tpu.memory_space<hbm>>) target(%arg11 : memref<125x128xf32, #tpu.memory_space<vmem>>) offsets(%dma_start3A_110 : memref<125xi32, #tpu.memory_space<vmem>>) semaphore(%arg14 : memref<!tpu.dma_semaphore, #tpu.memory_space<semaphore_mem>>)
      } else {
      }
      %dma_wait3A_68 = arith.constant 0 : i32
      %dma_wait3A_69 = arith.constant 0 : i32
      %dma_wait3A_70 = tpu.memref_slice %arg8[%dma_wait3A_68, %dma_wait3A_69] : memref<1x125xi32, #tpu.memory_space<vmem>> -> memref<1x125xi32, #tpu.memory_space<vmem>>
      %dma_wait3A_71 = tpu.memref_squeeze %dma_wait3A_70 : memref<1x125xi32, #tpu.memory_space<vmem>> -> memref<125xi32, #tpu.memory_space<vmem>>
      %dma_wait3A_72 = arith.constant 0 : i32
      %dma_wait3A_73 = arith.constant 0 : i32
      %dma_wait3A_74 = tpu.memref_slice %arg2[%dma_wait3A_72, %dma_wait3A_73] : memref<10000x128xf32, #tpu.memory_space<hbm>> -> memref<10000x128xf32, #tpu.memory_space<hbm>>
      tpu.wait_indirect_dma semaphore(%arg14 : memref<!tpu.dma_semaphore, #tpu.memory_space<semaphore_mem>>) src(%dma_wait3A_74 : memref<10000x128xf32, #tpu.memory_space<hbm>>) dst(%arg11 : memref<125x128xf32, #tpu.memory_space<vmem>>)
      %lt3A_75 = arith.constant 39 : i32
      %lt3A_76 = arith.cmpi slt, %add3A_46, %lt3A_75 : i32
      %convert_element_type3A_77 = arith.extui %lt3A_76 : i1 to i32
      %cond3A_78 = arith.constant 0 : i32
      %cond3A_79 = arith.cmpi ne, %convert_element_type3A_77, %cond3A_78 : i32
      scf.if %cond3A_79 {
        %add3A_93 = arith.addi %mul3A_2, %mul3A_48 : i32
        %add3A_94 = arith.constant 3 : i32
        %add3A_95 = arith.addi %add3A_93, %add3A_94 : i32
        %dma_start3A_96 = arith.constant 0 : i32
        %dma_start3A_97 = tpu.memref_slice %arg3[%add3A_95, %dma_start3A_96] : memref<2560x125xi32, #tpu.memory_space<hbm>> -> memref<1x125xi32, #tpu.memory_space<hbm>>
        %dma_start3A_98 = arith.constant 0 : i32
        %dma_start3A_99 = tpu.memref_slice %arg3[%add3A_95, %dma_start3A_98] : memref<2560x125xi32, #tpu.memory_space<hbm>> -> memref<1x125xi32, #tpu.memory_space<hbm>>
        tpu.enqueue_dma source(%dma_start3A_99 : memref<1x125xi32, #tpu.memory_space<hbm>>) target(%arg8 : memref<1x125xi32, #tpu.memory_space<vmem>>) target_semaphore(%arg16 : memref<!tpu.dma_semaphore, #tpu.memory_space<semaphore_mem>>)
      } else {
      }
      %add3A_80 = arith.constant 1 : i32
      %add3A_81 = arith.addi %mul3A_48, %add3A_80 : i32
      %dma_start3A_82 = arith.constant 0 : i32
      %dma_start3A_83 = tpu.memref_slice %arg9[%add3A_81, %dma_start3A_82] : memref<80x125xi32, #tpu.memory_space<vmem>> -> memref<1x125xi32, #tpu.memory_space<vmem>>
      %dma_start3A_84 = tpu.memref_squeeze %dma_start3A_83 : memref<1x125xi32, #tpu.memory_space<vmem>> -> memref<125xi32, #tpu.memory_space<vmem>>
      %dma_start3A_85 = arith.constant 0 : i32
      %dma_start3A_86 = arith.constant 0 : i32
      %dma_start3A_87 = tpu.memref_slice %arg12[%dma_start3A_85, %dma_start3A_86] : memref<10240x128xf32, #tpu.memory_space<vmem_shared>> -> memref<10240x128xf32, #tpu.memory_space<vmem_shared>>
      tpu.enqueue_indirect_dma source(%arg11 : memref<125x128xf32, #tpu.memory_space<vmem>>) target(%dma_start3A_87 : memref<10240x128xf32, #tpu.memory_space<vmem_shared>>) offsets(%dma_start3A_84 : memref<125xi32, #tpu.memory_space<vmem>>) semaphore(%arg18 : memref<!tpu.dma_semaphore, #tpu.memory_space<semaphore_mem>>) {add = true}
      %lt3A_88 = arith.constant 39 : i32
      %lt3A_89 = arith.cmpi slt, %add3A_46, %lt3A_88 : i32
      %convert_element_type3A_90 = arith.extui %lt3A_89 : i1 to i32
      %cond3A_91 = arith.constant 0 : i32
      %cond3A_92 = arith.cmpi ne, %convert_element_type3A_90, %cond3A_91 : i32
      scf.if %cond3A_92 {
        %add3A_93 = arith.addi %mul3A_2, %mul3A_48 : i32
        %add3A_94 = arith.constant 2 : i32
        %add3A_95 = arith.addi %add3A_93, %add3A_94 : i32
        %dma_wait3A_96 = arith.constant 0 : i32
        %dma_wait3A_97 = tpu.memref_slice %arg3[%add3A_95, %dma_wait3A_96] : memref<2560x125xi32, #tpu.memory_space<hbm>> -> memref<1x125xi32, #tpu.memory_space<hbm>>
        %dma_wait3A_98 = arith.constant 0 : i32
        %dma_wait3A_99 = tpu.memref_slice %arg3[%add3A_95, %dma_wait3A_98] : memref<2560x125xi32, #tpu.memory_space<hbm>> -> memref<1x125xi32, #tpu.memory_space<hbm>>
        tpu.wait_dma2 semaphore(%arg15 : memref<!tpu.dma_semaphore, #tpu.memory_space<semaphore_mem>>) src(%dma_wait3A_99 : memref<1x125xi32, #tpu.memory_space<hbm>>) dst(%arg7 : memref<1x125xi32, #tpu.memory_space<vmem>>)
        %dma_wait3A_100 = arith.constant 0 : i32
        %dma_wait3A_101 = arith.constant 0 : i32
        %dma_wait3A_102 = tpu.memref_slice %arg9[%dma_wait3A_100, %dma_wait3A_101] : memref<80x125xi32, #tpu.memory_space<vmem>> -> memref<1x125xi32, #tpu.memory_space<vmem>>
        %dma_wait3A_103 = tpu.memref_squeeze %dma_wait3A_102 : memref<1x125xi32, #tpu.memory_space<vmem>> -> memref<125xi32, #tpu.memory_space<vmem>>
        %dma_wait3A_104 = arith.constant 0 : i32
        %dma_wait3A_105 = arith.constant 0 : i32
        %dma_wait3A_106 = tpu.memref_slice %arg12[%dma_wait3A_104, %dma_wait3A_105] : memref<10240x128xf32, #tpu.memory_space<vmem_shared>> -> memref<10240x128xf32, #tpu.memory_space<vmem_shared>>
        tpu.wait_indirect_dma semaphore(%arg17 : memref<!tpu.dma_semaphore, #tpu.memory_space<semaphore_mem>>) src(%arg10 : memref<125x128xf32, #tpu.memory_space<vmem>>) dst(%dma_wait3A_106 : memref<10240x128xf32, #tpu.memory_space<vmem_shared>>)
        %dma_start3A_107 = arith.constant 0 : i32
        %dma_start3A_108 = arith.constant 0 : i32
        %dma_start3A_109 = tpu.memref_slice %arg7[%dma_start3A_107, %dma_start3A_108] : memref<1x125xi32, #tpu.memory_space<vmem>> -> memref<1x125xi32, #tpu.memory_space<vmem>>
        %dma_start3A_110 = tpu.memref_squeeze %dma_start3A_109 : memref<1x125xi32, #tpu.memory_space<vmem>> -> memref<125xi32, #tpu.memory_space<vmem>>
        %dma_start3A_111 = arith.constant 0 : i32
        %dma_start3A_112 = arith.constant 0 : i32
        %dma_start3A_113 = tpu.memref_slice %arg2[%dma_start3A_111, %dma_start3A_112] : memref<10000x128xf32, #tpu.memory_space<hbm>> -> memref<10000x128xf32, #tpu.memory_space<hbm>>
        tpu.enqueue_indirect_dma source(%dma_start3A_113 : memref<10000x128xf32, #tpu.memory_space<hbm>>) target(%arg10 : memref<125x128xf32, #tpu.memory_space<vmem>>) offsets(%dma_start3A_110 : memref<125xi32, #tpu.memory_space<vmem>>) semaphore(%arg13 : memref<!tpu.dma_semaphore, #tpu.memory_space<semaphore_mem>>)
      } else {
      }
    }
    %scan3A_23 = arith.constant 40 : i32
    %dma_wait3A = arith.constant 0 : i32
    %dma_wait3A_24 = arith.constant 0 : i32
    %dma_wait3A_25 = tpu.memref_slice %arg9[%dma_wait3A, %dma_wait3A_24] : memref<80x125xi32, #tpu.memory_space<vmem>> -> memref<1x125xi32, #tpu.memory_space<vmem>>
    %dma_wait3A_26 = tpu.memref_squeeze %dma_wait3A_25 : memref<1x125xi32, #tpu.memory_space<vmem>> -> memref<125xi32, #tpu.memory_space<vmem>>
    %dma_wait3A_27 = arith.constant 0 : i32
    %dma_wait3A_28 = arith.constant 0 : i32
    %dma_wait3A_29 = tpu.memref_slice %arg12[%dma_wait3A_27, %dma_wait3A_28] : memref<10240x128xf32, #tpu.memory_space<vmem_shared>> -> memref<10240x128xf32, #tpu.memory_space<vmem_shared>>
    tpu.wait_indirect_dma semaphore(%arg17 : memref<!tpu.dma_semaphore, #tpu.memory_space<semaphore_mem>>) src(%arg10 : memref<125x128xf32, #tpu.memory_space<vmem>>) dst(%dma_wait3A_29 : memref<10240x128xf32, #tpu.memory_space<vmem_shared>>)
    %dma_wait3A_30 = arith.constant 0 : i32
    %dma_wait3A_31 = arith.constant 0 : i32
    %dma_wait3A_32 = tpu.memref_slice %arg9[%dma_wait3A_30, %dma_wait3A_31] : memref<80x125xi32, #tpu.memory_space<vmem>> -> memref<1x125xi32, #tpu.memory_space<vmem>>
    %dma_wait3A_33 = tpu.memref_squeeze %dma_wait3A_32 : memref<1x125xi32, #tpu.memory_space<vmem>> -> memref<125xi32, #tpu.memory_space<vmem>>
    %dma_wait3A_34 = arith.constant 0 : i32
    %dma_wait3A_35 = arith.constant 0 : i32
    %dma_wait3A_36 = tpu.memref_slice %arg12[%dma_wait3A_34, %dma_wait3A_35] : memref<10240x128xf32, #tpu.memory_space<vmem_shared>> -> memref<10240x128xf32, #tpu.memory_space<vmem_shared>>
    tpu.wait_indirect_dma semaphore(%arg18 : memref<!tpu.dma_semaphore, #tpu.memory_space<semaphore_mem>>) src(%arg11 : memref<125x128xf32, #tpu.memory_space<vmem>>) dst(%dma_wait3A_36 : memref<10240x128xf32, #tpu.memory_space<vmem_shared>>)
    %barrier3A_37 = arith.constant 0 : index
    tpu.barrier barrier_id(%barrier3A_37)
    %mul3A_38 = arith.constant 640 : i32
    %mul3A_39 = arith.muli %arg1, %mul3A_38 : i32
    %mul3A_40 = arith.constant 640 : i32
    %mul3A_41 = arith.muli %arg1, %mul3A_40 : i32
    "tpu.region"() ({
      %run_scoped3A = tpu.sem_alloc : memref<!tpu.dma_semaphore, #tpu.memory_space<semaphore_mem>>
      %dma_start3A_42 = arith.constant 0 : i32
      %dma_start3A_43 = tpu.memref_slice %arg6[%arg0, %mul3A_41, %dma_start3A_42] : memref<2x10240x128xf32, #tpu.memory_space<hbm>> -> memref<1x640x128xf32, #tpu.memory_space<hbm>>
      %dma_start3A_44 = tpu.memref_squeeze %dma_start3A_43 : memref<1x640x128xf32, #tpu.memory_space<hbm>> -> memref<640x128xf32, #tpu.memory_space<hbm>>
      %dma_start3A_45 = arith.constant 0 : i32
      %dma_start3A_46 = tpu.memref_slice %arg12[%mul3A_39, %dma_start3A_45] : memref<10240x128xf32, #tpu.memory_space<vmem_shared>> -> memref<640x128xf32, #tpu.memory_space<vmem_shared>>
      tpu.enqueue_dma source(%dma_start3A_46 : memref<640x128xf32, #tpu.memory_space<vmem_shared>>) target(%dma_start3A_44 : memref<640x128xf32, #tpu.memory_space<hbm>>) target_semaphore(%run_scoped3A : memref<!tpu.dma_semaphore, #tpu.memory_space<semaphore_mem>>)
      %dma_wait3A_47 = arith.constant 0 : i32
      %dma_wait3A_48 = tpu.memref_slice %arg6[%arg0, %mul3A_41, %dma_wait3A_47] : memref<2x10240x128xf32, #tpu.memory_space<hbm>> -> memref<1x640x128xf32, #tpu.memory_space<hbm>>
      %dma_wait3A_49 = tpu.memref_squeeze %dma_wait3A_48 : memref<1x640x128xf32, #tpu.memory_space<hbm>> -> memref<640x128xf32, #tpu.memory_space<hbm>>
      %dma_wait3A_50 = arith.constant 0 : i32
      %dma_wait3A_51 = tpu.memref_slice %arg12[%mul3A_39, %dma_wait3A_50] : memref<10240x128xf32, #tpu.memory_space<vmem_shared>> -> memref<640x128xf32, #tpu.memory_space<vmem_shared>>
      tpu.wait_dma2 semaphore(%run_scoped3A : memref<!tpu.dma_semaphore, #tpu.memory_space<semaphore_mem>>) src(%dma_wait3A_51 : memref<640x128xf32, #tpu.memory_space<vmem_shared>>) dst(%dma_wait3A_49 : memref<640x128xf32, #tpu.memory_space<hbm>>)
      tpu.yield
    }) : () -> ()
    return
  }
}

module attributes {stable_mosaic.version = 14 : i64} {
  func.func @_tc1a_body(%arg0: i32, %arg1: memref<1000x128xf32, #tpu.memory_space<vmem>>, %arg2: memref<128x128xf32, #tpu.memory_space<vmem>>, %arg3: memref<1000x128xf32, #tpu.memory_space<vmem>>) attributes {dimension_semantics = [#tpu.dimension_semantics<arbitrary>], iteration_bounds = array<i64: 10>, scalar_prefetch = 0 : i64, scratch_operands = 0 : i64, tpu.core_type = #tpu.core_type<tc>, window_params = [{transform_indices = @transform_0, window_bounds = array<i64: 1000, 128>}, {pipeline_mode = #tpu.pipeline_mode<synchronous>, transform_indices = @transform_1, window_bounds = array<i64: 128, 128>}, {transform_indices = @transform_2, window_bounds = array<i64: 1000, 128>}]} {
    %get3A = arith.constant 0 : index
    %get3A_0 = arith.constant 0 : index
    %get3A_1 = vector.load %arg1[%get3A, %get3A_0] : memref<1000x128xf32, #tpu.memory_space<vmem>>, vector<1000x128xf32>
    %get3A_2 = arith.constant 0 : index
    %get3A_3 = arith.constant 0 : index
    %get3A_4 = vector.load %arg2[%get3A_2, %get3A_3] : memref<128x128xf32, #tpu.memory_space<vmem>>, vector<128x128xf32>
    %dot_general3A = arith.constant dense<0.000000e+00> : vector<1000x128xf32>
    %dot_general3A_5 = tpu.matmul %get3A_1, %get3A_4, %dot_general3A {dimension_numbers = #tpu.dot_dimension_numbers<[1], [0], [0], [1], [0, 0, 1, 1], [], []>, precision = #tpu.contract_precision<fp32>, transpose_lhs_hint = false} : vector<1000x128xf32>, vector<128x128xf32>, vector<1000x128xf32> -> vector<1000x128xf32>
    %swap3A = arith.constant 0 : index
    %swap3A_6 = arith.constant 0 : index
    %swap3A_7 = vector.load %arg3[%swap3A, %swap3A_6] : memref<1000x128xf32, #tpu.memory_space<vmem>>, vector<1000x128xf32>
    tpu.vector_store %arg3[%swap3A, %swap3A_6], %dot_general3A_5 {strides = array<i32>} : memref<1000x128xf32, #tpu.memory_space<vmem>>, vector<1000x128xf32>,
    return
  }
  func.func @transform_0(%arg0: i32) -> (i32, i32) {
    %c0_i32 = arith.constant 0 : i32
    %c0_i32_0 = arith.constant 0 : i32
    return %arg0, %c0_i32 : i32, i32
  }
  func.func @transform_1(%arg0: i32) -> (i32, i32) {
    %c0_i32 = arith.constant 0 : i32
    %c0_i32_0 = arith.constant 0 : i32
    %c0_i32_1 = arith.constant 0 : i32
    return %c0_i32, %c0_i32_0 : i32, i32
  }
  func.func @transform_2(%arg0: i32) -> (i32, i32) {
    %c0_i32 = arith.constant 0 : i32
    %c0_i32_0 = arith.constant 0 : i32
    return %arg0, %c0_i32 : i32, i32
  }
}

module attributes {stable_mosaic.version = 14 : i64} {
  func.func @_tc1b_body(%arg0: i32, %arg1: memref<1000x128xf32, #tpu.memory_space<vmem>>, %arg2: memref<1x1000x128xf32, #tpu.memory_space<vmem>>, %arg3: memref<1000x128xf32, #tpu.memory_space<vmem>>) attributes {dimension_semantics = [#tpu.dimension_semantics<arbitrary>], iteration_bounds = array<i64: 10>, scalar_prefetch = 0 : i64, scratch_operands = 0 : i64, tpu.core_type = #tpu.core_type<tc>, window_params = [{transform_indices = @transform_0, window_bounds = array<i64: 1000, 128>}, {transform_indices = @transform_1, window_bounds = array<i64: 1, 1000, 128>}, {transform_indices = @transform_2, window_bounds = array<i64: 1000, 128>}]} {
    %get3A = arith.constant 0 : index
    %get3A_0 = arith.constant 0 : index
    %get3A_1 = vector.load %arg1[%get3A, %get3A_0] : memref<1000x128xf32, #tpu.memory_space<vmem>>, vector<1000x128xf32>
    %get3A_2 = arith.constant 0 : index
    %get3A_3 = arith.constant 0 : index
    %get3A_4 = arith.constant 0 : index
    %get3A_5 = vector.load %arg2[%get3A_2, %get3A_3, %get3A_4] : memref<1x1000x128xf32, #tpu.memory_space<vmem>>, vector<1x1000x128xf32>
    %slice3A = vector.extract_strided_slice %get3A_5 {offsets = [0, 0, 0], sizes = [1, 1000, 1], strides = [1, 1, 1]} : vector<1x1000x128xf32> to vector<1x1000x1xf32>
    %squeeze3A = vector.shape_cast %slice3A : vector<1x1000x1xf32> to vector<1000x1xf32>
    %gt3A = arith.constant 0.000000e+00 : f32
    %gt3A_6 = vector.broadcast %gt3A : f32 to vector<1000x1xf32>
    %gt3A_7 = arith.cmpf ogt, %squeeze3A, %gt3A_6 : vector<1000x1xf32>
    %max3A = arith.constant 1.000000e+00 : f32
    %max3A_8 = vector.broadcast %max3A : f32 to vector<1000x1xf32>
    %max3A_9 = arith.maximumf %squeeze3A, %max3A_8 : vector<1000x1xf32>
    %rsqrt3A = math.rsqrt %max3A_9 : vector<1000x1xf32>
    %jit3A = arith.constant 0.000000e+00 : f32
    %broadcast_in_dim3A = vector.broadcast %jit3A : f32 to vector<1000x1xf32>
    %select_n3A = arith.select %gt3A_7, %rsqrt3A, %broadcast_in_dim3A : vector<1000x1xi1>, vector<1000x1xf32>
    %mul3A = vector.broadcast %select_n3A : vector<1000x1xf32> to vector<1000x128xf32>
    %mul3A_10 = arith.mulf %get3A_1, %mul3A : vector<1000x128xf32>
    %swap3A = arith.constant 0 : index
    %swap3A_11 = arith.constant 0 : index
    %swap3A_12 = vector.load %arg3[%swap3A, %swap3A_11] : memref<1000x128xf32, #tpu.memory_space<vmem>>, vector<1000x128xf32>
    tpu.vector_store %arg3[%swap3A, %swap3A_11], %mul3A_10 {strides = array<i32>} : memref<1000x128xf32, #tpu.memory_space<vmem>>, vector<1000x128xf32>,
    return
  }
  func.func @transform_0(%arg0: i32) -> (i32, i32) {
    %c0_i32 = arith.constant 0 : i32
    %c0_i32_0 = arith.constant 0 : i32
    return %arg0, %c0_i32 : i32, i32
  }
  func.func @transform_1(%arg0: i32) -> (i32, i32, i32) {
    %c0_i32 = arith.constant 0 : i32
    %c0_i32_0 = arith.constant 0 : i32
    %c0_i32_1 = arith.constant 0 : i32
    return %c0_i32, %arg0, %c0_i32_0 : i32, i32, i32
  }
  func.func @transform_2(%arg0: i32) -> (i32, i32) {
    %c0_i32 = arith.constant 0 : i32
    %c0_i32_0 = arith.constant 0 : i32
    return %arg0, %c0_i32 : i32, i32
  }
}

module attributes {stable_mosaic.version = 14 : i64} {
  func.func @_tc2_body(%arg0: i32, %arg1: memref<1x1000x128xf32, #tpu.memory_space<vmem>>, %arg2: memref<1x1000x128xf32, #tpu.memory_space<vmem>>, %arg3: memref<2x1000x128xf32, #tpu.memory_space<vmem>>, %arg4: memref<1x128xf32, #tpu.memory_space<vmem>>, %arg5: memref<128x128xf32, #tpu.memory_space<vmem>>, %arg6: memref<1000x128xf32, #tpu.memory_space<vmem>>) attributes {dimension_semantics = [#tpu.dimension_semantics<arbitrary>], iteration_bounds = array<i64: 10>, scalar_prefetch = 0 : i64, scratch_operands = 0 : i64, tpu.core_type = #tpu.core_type<tc>, window_params = [{transform_indices = @transform_0, window_bounds = array<i64: 1, 1000, 128>}, {transform_indices = @transform_1, window_bounds = array<i64: 1, 1000, 128>}, {transform_indices = @transform_2, window_bounds = array<i64: 2, 1000, 128>}, {pipeline_mode = #tpu.pipeline_mode<synchronous>, transform_indices = @transform_3, window_bounds = array<i64: 1, 128>}, {pipeline_mode = #tpu.pipeline_mode<synchronous>, transform_indices = @transform_4, window_bounds = array<i64: 128, 128>}, {transform_indices = @transform_5, window_bounds = array<i64: 1000, 128>}]} {
    %get3A = arith.constant 0 : index
    %get3A_0 = arith.constant 0 : index
    %get3A_1 = arith.constant 0 : index
    %get3A_2 = vector.load %arg3[%get3A, %get3A_0, %get3A_1] : memref<2x1000x128xf32, #tpu.memory_space<vmem>>, vector<2x1000x128xf32>
    %slice3A = vector.extract_strided_slice %get3A_2 {offsets = [1, 0, 0], sizes = [1, 1000, 1], strides = [1, 1, 1]} : vector<2x1000x128xf32> to vector<1x1000x1xf32>
    %squeeze3A = vector.shape_cast %slice3A : vector<1x1000x1xf32> to vector<1000x1xf32>
    %gt3A = arith.constant 0.000000e+00 : f32
    %gt3A_3 = vector.broadcast %gt3A : f32 to vector<1000x1xf32>
    %gt3A_4 = arith.cmpf ogt, %squeeze3A, %gt3A_3 : vector<1000x1xf32>
    %max3A = arith.constant 1.000000e+00 : f32
    %max3A_5 = vector.broadcast %max3A : f32 to vector<1000x1xf32>
    %max3A_6 = arith.maximumf %squeeze3A, %max3A_5 : vector<1000x1xf32>
    %rsqrt3A = math.rsqrt %max3A_6 : vector<1000x1xf32>
    %jit3A = arith.constant 0.000000e+00 : f32
    %broadcast_in_dim3A = vector.broadcast %jit3A : f32 to vector<1000x1xf32>
    %select_n3A = arith.select %gt3A_4, %rsqrt3A, %broadcast_in_dim3A : vector<1000x1xi1>, vector<1000x1xf32>
    %get3A_7 = arith.constant 0 : index
    %get3A_8 = arith.constant 0 : index
    %get3A_9 = arith.constant 0 : index
    %get3A_10 = vector.load %arg1[%get3A_7, %get3A_8, %get3A_9] : memref<1x1000x128xf32, #tpu.memory_space<vmem>>, vector<1x1000x128xf32>
    %squeeze3A_11 = vector.shape_cast %get3A_10 : vector<1x1000x128xf32> to vector<1000x128xf32>
    %get3A_12 = arith.constant 0 : index
    %get3A_13 = arith.constant 0 : index
    %get3A_14 = arith.constant 0 : index
    %get3A_15 = vector.load %arg2[%get3A_12, %get3A_13, %get3A_14] : memref<1x1000x128xf32, #tpu.memory_space<vmem>>, vector<1x1000x128xf32>
    %squeeze3A_16 = vector.shape_cast %get3A_15 : vector<1x1000x128xf32> to vector<1000x128xf32>
    %add3A = arith.addf %squeeze3A_11, %squeeze3A_16 : vector<1000x128xf32>
    %mul3A = vector.broadcast %select_n3A : vector<1000x1xf32> to vector<1000x128xf32>
    %mul3A_17 = arith.mulf %add3A, %mul3A : vector<1000x128xf32>
    %get3A_18 = arith.constant 0 : index
    %get3A_19 = arith.constant 0 : index
    %get3A_20 = vector.load %arg4[%get3A_18, %get3A_19] : memref<1x128xf32, #tpu.memory_space<vmem>>, vector<1x128xf32>
    %add3A_21 = vector.broadcast %get3A_20 : vector<1x128xf32> to vector<1000x128xf32>
    %add3A_22 = arith.addf %mul3A_17, %add3A_21 : vector<1000x128xf32>
    %max3A_23 = arith.constant 0.000000e+00 : f32
    %max3A_24 = vector.broadcast %max3A_23 : f32 to vector<1000x128xf32>
    %max3A_25 = arith.maximumf %add3A_22, %max3A_24 : vector<1000x128xf32>
    %get3A_26 = arith.constant 0 : index
    %get3A_27 = arith.constant 0 : index
    %get3A_28 = vector.load %arg5[%get3A_26, %get3A_27] : memref<128x128xf32, #tpu.memory_space<vmem>>, vector<128x128xf32>
    %dot_general3A = arith.constant dense<0.000000e+00> : vector<1000x128xf32>
    %dot_general3A_29 = tpu.matmul %max3A_25, %get3A_28, %dot_general3A {dimension_numbers = #tpu.dot_dimension_numbers<[1], [0], [0], [1], [0, 0, 1, 1], [], []>, precision = #tpu.contract_precision<fp32>, transpose_lhs_hint = false} : vector<1000x128xf32>, vector<128x128xf32>, vector<1000x128xf32> -> vector<1000x128xf32>
    %slice3A_30 = vector.extract_strided_slice %get3A_2 {offsets = [0, 0, 0], sizes = [1, 1000, 1], strides = [1, 1, 1]} : vector<2x1000x128xf32> to vector<1x1000x1xf32>
    %squeeze3A_31 = vector.shape_cast %slice3A_30 : vector<1x1000x1xf32> to vector<1000x1xf32>
    %gt3A_32 = arith.constant 0.000000e+00 : f32
    %gt3A_33 = vector.broadcast %gt3A_32 : f32 to vector<1000x1xf32>
    %gt3A_34 = arith.cmpf ogt, %squeeze3A_31, %gt3A_33 : vector<1000x1xf32>
    %max3A_35 = arith.constant 1.000000e+00 : f32
    %max3A_36 = vector.broadcast %max3A_35 : f32 to vector<1000x1xf32>
    %max3A_37 = arith.maximumf %squeeze3A_31, %max3A_36 : vector<1000x1xf32>
    %rsqrt3A_38 = math.rsqrt %max3A_37 : vector<1000x1xf32>
    %jit3A_39 = arith.constant 0.000000e+00 : f32
    %broadcast_in_dim3A_40 = vector.broadcast %jit3A_39 : f32 to vector<1000x1xf32>
    %select_n3A_41 = arith.select %gt3A_34, %rsqrt3A_38, %broadcast_in_dim3A_40 : vector<1000x1xi1>, vector<1000x1xf32>
    %mul3A_42 = vector.broadcast %select_n3A_41 : vector<1000x1xf32> to vector<1000x128xf32>
    %mul3A_43 = arith.mulf %dot_general3A_29, %mul3A_42 : vector<1000x128xf32>
    %swap3A = arith.constant 0 : index
    %swap3A_44 = arith.constant 0 : index
    %swap3A_45 = vector.load %arg6[%swap3A, %swap3A_44] : memref<1000x128xf32, #tpu.memory_space<vmem>>, vector<1000x128xf32>
    tpu.vector_store %arg6[%swap3A, %swap3A_44], %mul3A_43 {strides = array<i32>} : memref<1000x128xf32, #tpu.memory_space<vmem>>, vector<1000x128xf32>,
    return
  }
  func.func @transform_0(%arg0: i32) -> (i32, i32, i32) {
    %c0_i32 = arith.constant 0 : i32
    %c0_i32_0 = arith.constant 0 : i32
    %c0_i32_1 = arith.constant 0 : i32
    return %c0_i32, %arg0, %c0_i32_0 : i32, i32, i32
  }
  func.func @transform_1(%arg0: i32) -> (i32, i32, i32) {
    %c1_i32 = arith.constant 1 : i32
    %c0_i32 = arith.constant 0 : i32
    %c0_i32_0 = arith.constant 0 : i32
    return %c1_i32, %arg0, %c0_i32 : i32, i32, i32
  }
  func.func @transform_2(%arg0: i32) -> (i32, i32, i32) {
    %c0_i32 = arith.constant 0 : i32
    %c0_i32_0 = arith.constant 0 : i32
    %c0_i32_1 = arith.constant 0 : i32
    return %c0_i32, %arg0, %c0_i32_0 : i32, i32, i32
  }
  func.func @transform_3(%arg0: i32) -> (i32, i32) {
    %c0_i32 = arith.constant 0 : i32
    %c0_i32_0 = arith.constant 0 : i32
    %c0_i32_1 = arith.constant 0 : i32
    return %c0_i32, %c0_i32_0 : i32, i32
  }
  func.func @transform_4(%arg0: i32) -> (i32, i32) {
    %c0_i32 = arith.constant 0 : i32
    %c0_i32_0 = arith.constant 0 : i32
    %c0_i32_1 = arith.constant 0 : i32
    return %c0_i32, %c0_i32_0 : i32, i32
  }
  func.func @transform_5(%arg0: i32) -> (i32, i32) {
    %c0_i32 = arith.constant 0 : i32
    %c0_i32_0 = arith.constant 0 : i32
    return %arg0, %c0_i32 : i32, i32
  }
}

module attributes {stable_mosaic.version = 14 : i64} {
  func.func @_tc3_body(%arg0: i32, %arg1: memref<1x1000x128xf32, #tpu.memory_space<vmem>>, %arg2: memref<1x1000x128xf32, #tpu.memory_space<vmem>>, %arg3: memref<1x1000x128xf32, #tpu.memory_space<vmem>>, %arg4: memref<1x128xf32, #tpu.memory_space<vmem>>, %arg5: memref<1000x128xf32, #tpu.memory_space<vmem>>) attributes {dimension_semantics = [#tpu.dimension_semantics<arbitrary>], iteration_bounds = array<i64: 10>, scalar_prefetch = 0 : i64, scratch_operands = 0 : i64, tpu.core_type = #tpu.core_type<tc>, window_params = [{transform_indices = @transform_0, window_bounds = array<i64: 1, 1000, 128>}, {transform_indices = @transform_1, window_bounds = array<i64: 1, 1000, 128>}, {transform_indices = @transform_2, window_bounds = array<i64: 1, 1000, 128>}, {pipeline_mode = #tpu.pipeline_mode<synchronous>, transform_indices = @transform_3, window_bounds = array<i64: 1, 128>}, {transform_indices = @transform_4, window_bounds = array<i64: 1000, 128>}]} {
    %get3A = arith.constant 0 : index
    %get3A_0 = arith.constant 0 : index
    %get3A_1 = arith.constant 0 : index
    %get3A_2 = vector.load %arg3[%get3A, %get3A_0, %get3A_1] : memref<1x1000x128xf32, #tpu.memory_space<vmem>>, vector<1x1000x128xf32>
    %slice3A = vector.extract_strided_slice %get3A_2 {offsets = [0, 0, 0], sizes = [1, 1000, 1], strides = [1, 1, 1]} : vector<1x1000x128xf32> to vector<1x1000x1xf32>
    %squeeze3A = vector.shape_cast %slice3A : vector<1x1000x1xf32> to vector<1000x1xf32>
    %gt3A = arith.constant 0.000000e+00 : f32
    %gt3A_3 = vector.broadcast %gt3A : f32 to vector<1000x1xf32>
    %gt3A_4 = arith.cmpf ogt, %squeeze3A, %gt3A_3 : vector<1000x1xf32>
    %max3A = arith.constant 1.000000e+00 : f32
    %max3A_5 = vector.broadcast %max3A : f32 to vector<1000x1xf32>
    %max3A_6 = arith.maximumf %squeeze3A, %max3A_5 : vector<1000x1xf32>
    %rsqrt3A = math.rsqrt %max3A_6 : vector<1000x1xf32>
    %jit3A = arith.constant 0.000000e+00 : f32
    %broadcast_in_dim3A = vector.broadcast %jit3A : f32 to vector<1000x1xf32>
    %select_n3A = arith.select %gt3A_4, %rsqrt3A, %broadcast_in_dim3A : vector<1000x1xi1>, vector<1000x1xf32>
    %get3A_7 = arith.constant 0 : index
    %get3A_8 = arith.constant 0 : index
    %get3A_9 = arith.constant 0 : index
    %get3A_10 = vector.load %arg1[%get3A_7, %get3A_8, %get3A_9] : memref<1x1000x128xf32, #tpu.memory_space<vmem>>, vector<1x1000x128xf32>
    %squeeze3A_11 = vector.shape_cast %get3A_10 : vector<1x1000x128xf32> to vector<1000x128xf32>
    %get3A_12 = arith.constant 0 : index
    %get3A_13 = arith.constant 0 : index
    %get3A_14 = arith.constant 0 : index
    %get3A_15 = vector.load %arg2[%get3A_12, %get3A_13, %get3A_14] : memref<1x1000x128xf32, #tpu.memory_space<vmem>>, vector<1x1000x128xf32>
    %squeeze3A_16 = vector.shape_cast %get3A_15 : vector<1x1000x128xf32> to vector<1000x128xf32>
    %add3A = arith.addf %squeeze3A_11, %squeeze3A_16 : vector<1000x128xf32>
    %mul3A = vector.broadcast %select_n3A : vector<1000x1xf32> to vector<1000x128xf32>
    %mul3A_17 = arith.mulf %add3A, %mul3A : vector<1000x128xf32>
    %get3A_18 = arith.constant 0 : index
    %get3A_19 = arith.constant 0 : index
    %get3A_20 = vector.load %arg4[%get3A_18, %get3A_19] : memref<1x128xf32, #tpu.memory_space<vmem>>, vector<1x128xf32>
    %add3A_21 = vector.broadcast %get3A_20 : vector<1x128xf32> to vector<1000x128xf32>
    %add3A_22 = arith.addf %mul3A_17, %add3A_21 : vector<1000x128xf32>
    %reduce_max3A = arith.constant dense<0xFF800000> : vector<1000xf32>
    %reduce_max3A_23 = vector.multi_reduction <maximumf>, %add3A_22, %reduce_max3A [1] : vector<1000x128xf32> to vector<1000xf32>
    %broadcast_in_dim3A_24 = vector.shape_cast %reduce_max3A_23 : vector<1000xf32> to vector<1000x1xf32>
    %sub3A = vector.broadcast %broadcast_in_dim3A_24 : vector<1000x1xf32> to vector<1000x128xf32>
    %sub3A_25 = arith.subf %add3A_22, %sub3A : vector<1000x128xf32>
    %exp3A = math.exp %sub3A_25 : vector<1000x128xf32>
    %reduce_sum3A = arith.constant dense<0.000000e+00> : vector<1000xf32>
    %reduce_sum3A_26 = vector.multi_reduction <add>, %exp3A, %reduce_sum3A [1] : vector<1000x128xf32> to vector<1000xf32>
    %broadcast_in_dim3A_27 = vector.shape_cast %reduce_sum3A_26 : vector<1000xf32> to vector<1000x1xf32>
    %div3A = vector.broadcast %broadcast_in_dim3A_27 : vector<1000x1xf32> to vector<1000x128xf32>
    %div3A_28 = arith.divf %exp3A, %div3A : vector<1000x128xf32>
    %swap3A = arith.constant 0 : index
    %swap3A_29 = arith.constant 0 : index
    %swap3A_30 = vector.load %arg5[%swap3A, %swap3A_29] : memref<1000x128xf32, #tpu.memory_space<vmem>>, vector<1000x128xf32>
    tpu.vector_store %arg5[%swap3A, %swap3A_29], %div3A_28 {strides = array<i32>} : memref<1000x128xf32, #tpu.memory_space<vmem>>, vector<1000x128xf32>,
    return
  }
  func.func @transform_0(%arg0: i32) -> (i32, i32, i32) {
    %c0_i32 = arith.constant 0 : i32
    %c0_i32_0 = arith.constant 0 : i32
    %c0_i32_1 = arith.constant 0 : i32
    return %c0_i32, %arg0, %c0_i32_0 : i32, i32, i32
  }
  func.func @transform_1(%arg0: i32) -> (i32, i32, i32) {
    %c1_i32 = arith.constant 1 : i32
    %c0_i32 = arith.constant 0 : i32
    %c0_i32_0 = arith.constant 0 : i32
    return %c1_i32, %arg0, %c0_i32 : i32, i32, i32
  }
  func.func @transform_2(%arg0: i32) -> (i32, i32, i32) {
    %c1_i32 = arith.constant 1 : i32
    %c0_i32 = arith.constant 0 : i32
    %c0_i32_0 = arith.constant 0 : i32
    return %c1_i32, %arg0, %c0_i32 : i32, i32, i32
  }
  func.func @transform_3(%arg0: i32) -> (i32, i32) {
    %c0_i32 = arith.constant 0 : i32
    %c0_i32_0 = arith.constant 0 : i32
    %c0_i32_1 = arith.constant 0 : i32
    return %c0_i32, %c0_i32_0 : i32, i32
  }
  func.func @transform_4(%arg0: i32) -> (i32, i32) {
    %c0_i32 = arith.constant 0 : i32
    %c0_i32_0 = arith.constant 0 : i32
    return %arg0, %c0_i32 : i32, i32
  }
}

</mosaic_0001>

<sc_bundles>
// kernel: kernel.12.cloned.1.call-start
scs
__scs_entry_jumppad:
0x0: {  	(pc) =	sbr.rel $0x88, $3  }
0x1: {  	(tag) =	ssettag $0x0;
	lr =	simm.s32 $0x1  }
0x2: {  	[smem:$0x3F9B] =	sst lr;
	_ =	strace $0xD0000000  }
0x3: {  	_ = 	snop  }
0x4: {  	_ = 	snop  }
0x5: {  	_ = 	snop  }
0x6: {  	_ = 	snop  }
0x7: {  	_ = 	snop  }
__scs_overlays_trampoline_lowered:
0x8: {  	[smem:$0x3FAA] =	sst s0  }
0x9: {  	[smem:$0x3FAB] =	sst s1  }
0xa: {  	[smem:$0x3FAC] =	sst s2  }
0xb: {  	[smem:$0x3FAD] =	sst s3  }
0xc: {  	[smem:$0x3FAE] =	sst s4  }
0xd: {  	[smem:$0x3FAF] =	sst s5  }
0xe: {  	[smem:$0x3FB0] =	sst s6  }
0xf: {  	[smem:$0x3FB1] =	sst s7  }
0x10: {  	[smem:$0x3FB2] =	sst s8  }
0x11: {  	[smem:$0x3FB3] =	sst s9;
	s0 =	simm.s32 @!p0 $0x0  }
0x12: {  	s1 =	sld [smem:$0x3F99];
	s0 =	simm.s32 @p0 $0x1  }
0x13: {  	[smem:$0x3FB4] =	sst s0;
	s0 =	simm.s32 @!p1 $0x0  }
0x14: {  	s2 =	sld [smem:$0x3F98];
	s0 =	simm.s32 @p1 $0x1  }
0x15: {  	[smem:$0x3FB5] =	sst s0;
	s0 =	simm.s32 @!p2 $0x0  }
0x16: {  	s3 =	sld [smem:$0x3FDB];
	s0 =	simm.s32 @p2 $0x1  }
0x17: {  	s4 =	simm.s32 $0x1BF5;
	[smem:$0x3FB7] =	sst s0  }
0x18: {  	s0 =	sld [smem:$0x3F9A];
	_ =	swait.ge [sflag:s4], $0x0  }
0x19: {  	s7 =	sld [smem:$0x3F9B]  }
0x1a: {  	s8 =	sadd.s32 $0xFFFFE003, lr  }
0x1b: {  	s9 =	sadd.s32 $0xFFFFFEF7, lr;
	s5 =	simm.s32 $0xFFFFFFFF;
	p2 =	slt.u32 s8, $0xFFFFF086  }
0x1c: {  	p1 =	slt.u32 s9, $0xF7A;
	s5 =	simm.s32 @!p2 $0x0  }
0x1d: {  	s5 =	simm.s32 @p1 $0x1;
	p0 =	seq.s32 s7, s2  }
0x1e: {  	s7 =	smul.u32 @!p0 $0xF7A, s2;
	p2 =	seq.s32 @!p0 s5, $0x0  }
0x1f: {  	s9 =	smul.u32 $0xF7A, s1;
	s8 =	simm.s32 @!p0 $0x1BF5;
	p2 =	por !p2, p0  }
0x20: {  	[sflag:s8] =	ssyncset.s32 @!p0 $0xFFFFF086;
	s6 =	sadd.s32 @!p0 s3, s7;
	s7 =	simm.s32 @!p0 $0x108  }
0x21: {  	s3 =	sadd.s32 s3, s9;
	s6 =	sadd.s32 @!p0 $0x88, s6;
	s7 =	simm.s32 @p2 $0x1082  }
0x22: {  	[simem:s7], [sflag:s8] =	dma.local @!p0 [hbm:s6], $0xF7A  }
0x23: {  	s9 =	sor.u32 $0xD0000000, s2;
	s6 =	simm.s32 $0x108;
	_ =	swait.ge @!p0 [sflag:s8], $0x0  }
0x24: {  	s3 =	sadd.s32 $0x88, s3;
	s6 =	simm.s32 @!p1 $0x1082;
	[sflag:s4] =	ssyncset.s32 $0xFFFFF086  }
0x25: {  	[simem:s6], [sflag:s4] =	dma.local [hbm:s3], $0xF7A  }
0x26: {  	[smem:$0x3F9B] =	sst s1;
	(tag) =	ssettag s2;
	_ =	strace s9  }
0x27: {  	s1 =	sld [smem:$0x3FAB]  }
0x28: {  	s2 =	sld [smem:$0x3FAC]  }
0x29: {  	s4 =	sld [smem:$0x3FAE]  }
0x2a: {  	p0 =	seq.s32 s5, $0x0;
	s5 =	sld [smem:$0x3FAF]  }
0x2b: {  	s6 =	sld [smem:$0x3FB0]  }
0x2c: {  	s7 =	sld [smem:$0x3FB1]  }
0x2d: {  	s3 =	simm.s32 $0x108;
	s8 =	sld [smem:$0x3FB2]  }
0x2e: {  	s3 =	simm.s32 @!p0 $0x1082;
	s9 =	sld [smem:$0x3FB3]  }
0x2f: {  	lr =	sadd.s32 s0, s3;
	s0 =	sld [smem:$0x3FAA]  }
0x30: {  	s3 =	sld [smem:$0x3FAD]  }
0x31: {  	[smem:$0x3FB6] =	sst s10  }
0x32: {  	s10 =	sld [smem:$0x3FB4];
	_ =	sdelay $0x3  }
0x33: {  	p0 =	seq.s32 s10, $0x1;
	s10 =	sld [smem:$0x3FB6];
	_ =	sdelay $0x3  }
0x34: {  	[smem:$0x3FB6] =	sst s10  }
0x35: {  	s10 =	sld [smem:$0x3FB5];
	_ =	sdelay $0x3  }
0x36: {  	p1 =	seq.s32 s10, $0x1;
	s10 =	sld [smem:$0x3FB6];
	_ =	sdelay $0x3  }
0x37: {  	[smem:$0x3FB6] =	sst s10  }
0x38: {  	s10 =	sld [smem:$0x3FB7]  }
0x39: {  	_ = 	snop;
	(pc) =	sbr.ind lr, $3  }
0x3a: {  	_ = 	snop  }
0x3b: {  	_ = 	snop  }
0x3c: {  	p2 =	seq.s32 s10, $0x1;
	s10 =	sld [smem:$0x3FB6]  }
0x3d: {  	_ =	shalt  }
0x3e: {  	_ =	shalt  }
0x3f: {  	_ =	shalt  }
0x40: {  	_ =	shalt  }
0x41: {  	_ =	shalt  }
0x42: {  	_ =	shalt  }
0x43: {  	_ =	shalt  }
0x44: {  	_ =	shalt  }
0x45: {  	_ =	shalt  }
0x46: {  	_ =	shalt  }
0x47: {  	_ =	shalt  }
0x48: {  	_ =	shalt  }
0x49: {  	_ =	shalt  }
0x4a: {  	_ =	shalt  }
0x4b: {  	_ =	shalt  }
0x4c: {  	_ =	shalt  }
0x4d: {  	_ =	shalt  }
0x4e: {  	_ =	shalt  }
0x4f: {  	_ =	shalt  }
0x50: {  	_ =	shalt  }
0x51: {  	_ =	shalt  }
0x52: {  	_ =	shalt  }
0x53: {  	_ =	shalt  }
0x54: {  	_ =	shalt  }
0x55: {  	_ =	shalt  }
0x56: {  	_ =	shalt  }
0x57: {  	_ =	shalt  }
0x58: {  	_ =	shalt  }
0x59: {  	_ =	shalt  }
0x5a: {  	_ =	shalt  }
0x5b: {  	_ =	shalt  }
0x5c: {  	_ =	shalt  }
0x5d: {  	_ =	shalt  }
0x5e: {  	_ =	shalt  }
0x5f: {  	_ =	shalt  }
0x60: {  	_ =	shalt  }
0x61: {  	_ =	shalt  }
0x62: {  	_ =	shalt  }
0x63: {  	_ =	shalt  }
0x64: {  	_ =	shalt  }
0x65: {  	_ =	shalt  }
0x66: {  	_ =	shalt  }
0x67: {  	_ =	shalt  }
0x68: {  	_ =	shalt  }
0x69: {  	_ =	shalt  }
0x6a: {  	_ =	shalt  }
0x6b: {  	_ =	shalt  }
0x6c: {  	_ =	shalt  }
0x6d: {  	_ =	shalt  }
0x6e: {  	_ =	shalt  }
0x6f: {  	_ =	shalt  }
0x70: {  	_ =	shalt  }
0x71: {  	_ =	shalt  }
0x72: {  	_ =	shalt  }
0x73: {  	_ =	shalt  }
0x74: {  	_ =	shalt  }
0x75: {  	_ =	shalt  }
0x76: {  	_ =	shalt  }
0x77: {  	_ =	shalt  }
0x78: {  	_ =	shalt  }
0x79: {  	_ =	shalt  }
0x7a: {  	_ =	shalt  }
0x7b: {  	_ =	shalt  }
0x7c: {  	_ =	shalt  }
0x7d: {  	_ =	shalt  }
0x7e: {  	_ =	shalt  }
0x7f: {  	_ =	shalt  }
0x80: {  	_ =	shalt  }
0x81: {  	_ =	shalt  }
0x82: {  	_ =	shalt  }
0x83: {  	_ =	shalt  }
0x84: {  	_ =	shalt  }
0x85: {  	_ =	shalt  }
0x86: {  	_ =	shalt  }
0x87: {  	_ =	shalt  }
.Lfunc_end0:
.L_simem_size_0:
called_computation.1_lowered:
.L_overlay_start_0:
0x88: {  	s2 =	sld [smem:$0x3FD9]  }
0x89: {  	s3 =	sld [smem:$0x3FFE];
	_ =	sdelay $0x1  }
0x8a: {  	s1 =	srdreg.scid  }
0x8b: {  	s0 =	sand.u32 $0x1, s1  }
0x8c: {  	s17 =	sshll.u32 s0, $0xA;
	s2 =	sadd.s32 s3, s2  }
0x8d: {  	s2 =	sadd.s32 s2, s17  }
0x8e: {  	[smem:$0x3FC2] =	sst s2  }
0x8f: {  	_ = 	snop  }
0x90: {  	s2 =	sld [smem:$0x3FD0];
	(tm) =	ssettm $0x1  }
0x91: {  	s18 =	sld [smem:$0x3FFB];
	_ =	sdelay $0x3  }
0x92: {  	_ =	strace s18  }
0x93: {  	s3 =	sld [smem:$0x3FFC];
	_ =	sdelay $0x3  }
0x94: {  	_ =	strace s3  }
0x95: {  	s3 =	sld [smem:$0x3FFD];
	_ =	sdelay $0x3  }
0x96: {  	_ =	strace s3  }
0x97: {  	_ =	strace $0x8FFFFFFF  }
0x98: {  	s19 =	sld [smem:$0x3FDB];
	_ =	sdelay $0x1  }
0x99: {  	s4 =	simm.s32 $_scs_section_size  }
0x9a: {  	s5 =	simm.s32 $_size__tile_overlayer_lowered;
	s6 =	simm.s32 $_tile_overlayer_lowered  }
0x9b: {  	s22 =	simm.s32 $0x1BFF;
	s21 =	sshll.u32 s6, $0x1;
	s3 =	sadd.s32 s4, s19  }
0x9c: {  	s7 =	simm.s32 $0x0;
	s20 =	sshll.u32 s5, $0x1;
	s5 =	sadd.s32 s21, s3  }
0x9d: {  	[timem:s7], [sflag:s22] =	dma.local [hbm:s5], s20  }
0x9e: {  	_ =	swait.ge [sflag:s22], s20  }
0x9f: {  	s4 =	ssub.s32 $0x0, s20;
	[sflag:s22] =	ssyncset.done $0x0  }
0xa0: {  	[sflag:s22] =	ssyncadd.s32 s4;
	_ =	sdelay $0x1  }
0xa1: {  	s23 =	simm.s32 $0x1B8B  }
0xa2: {  	_ =	swait.ge [sflag:s23], $0x1  }
0xa3: {  	[sflag:s23] =	ssyncset.done $0x0  }
0xa4: {  	s25 =	simm.s32 $0x1B8E;
	s24 =	sld [smem:$0x3FFE];
	[sflag:s23] =	ssyncadd.s32 $0xFFFFFFFF  }
0xa5: {  	s26 =	simm.s32 $execute0_lowered;
	[smem:$0x3FD2] =	sst s25  }
0xa6: {  	s5 =	sshll.u32 s26, $0x1;
	_ =	strace $0x80000049;
	[dreg:$0x1] =	wrdreg $0xFFFFFFFF  }
0xa7: {  	s28 =	simm.s32 $_size_execute0_lowered;
	s3 =	sadd.s32 s3, s5;
	[dreg:$0x0] =	wrdreg $0x0  }
0xa8: {  	s5 =	sshll.u32 s28, $0x1;
	[dreg:$0x2] =	wrdreg s3  }
0xa9: {  	[dreg:$0x3] =	wrdreg s5  }
0xaa: {  	[dreg:$0x4] =	wrdreg $0xC0  }
0xab: {  	_ =	task [dreg:s7], $0x5FFFF  }
0xac: {  	[dreg:$0x1] =	wrdreg $0xFFFFFFFF  }
0xad: {  	[dreg:$0x0] =	wrdreg $0x60  }
0xae: {  	[dreg:$0x2] =	wrdreg s2  }
0xaf: {  	[dreg:$0x3] =	wrdreg s24  }
0xb0: {  	[dreg:$0x4] =	wrdreg $0xA9000  }
0xb1: {  	[dreg:$0x5] =	wrdreg $0x9  }
0xb2: {  	_ =	task.clear_ibuf [dreg:s7], $0x6FFFF;
	_ =	strace $0x90000049  }
0xb3: {  	s29 =	simm.s32 $0x9;
	_ =	strace $0x8000004B  }
0xb4: {  	_ =	swait.ge [sflag:s29], $0x1  }
0xb5: {  	[sflag:s29] =	ssyncadd.s32 $0xFFFFFFFF  }
0xb6: {  	_ =	strace $0x9000004B  }
0xb7: {  	_ =	sfence  }
0xb8: {  	s30 =	sld [smem:$0x0];
	_ =	sdelay $0x2  }
0xb9: {  	s31 =	sshll.u32 s1, $0xD;
	s1 =	sshrl.u32 s1, $0x2  }
0xba: {  	s3 =	sand.u32 $0x4000, s31;
	s1 =	sadd.s32 s1, s30  }
0xbb: {  	s0 =	sor.u32 s3, s0;
	s1 =	sshll.u32 s1, $0x11  }
0xbc: {  	s0 =	sor.u32 s1, s0  }
0xbd: {  	s0 =	sadd.s32 $0x8F2B, s0  }
0xbe: {  	[sflag:s0] =	ssyncadd.remote.s32 $0x1  }
0xbf: {  	_ =	sfence.sel $0xFFFF  }
0xc0: {  	[dreg:$0x0] =	wrdreg $0xFFFFFFFF;
	(pc) =	sbr.abs _section_cstart, $3  }
0xc1: {  	[dreg:$0x1] =	wrdreg $0xFFFFFFFF  }
0xc2: {  	_ =	task.clear_ibuf [dreg:s7], $0x2FFFF;
	_ =	strace $0x9FFFFFFF  }
0xc3: {  	(tm) =	ssettm $0x7FFFFFFF  }
tec
execute0_lowered:
.L_overlay_start_1:
0x0: {  	(tag) =	ssettag $0x1  }
0x1: {  	s0 =	srdreg.scid;
	s1 =	rddreg [dreg:$0x0]  }
0x2: {  	s15 =	stileid.u32;
	s6 =	rddreg [dreg:$0x1]  }
0x3: {  	s3 =	rddreg [dreg:$0x2];
	s4 =	simm.s32 $0x0;
	s16 =	simm.s32 $0x7  }
0x4: {  	s17 =	simm.s32 $0x100;
	s18 =	simm.s32 $0x80;
	s19 =	simm.s32 $0x7D  }
0x5: {  	s20 =	simm.s32 $0x2900;
	s21 =	simm.s32 $0x6900;
	s22 =	simm.s32 $0x1  }
0x6: {  	s23 =	simm.s32 $0x2;
	s28 =	simm.s32 $0x4;
	s29 =	simm.s32 $0x6  }
0x7: {  	s30 =	simm.s32 $0x0;
	s0 =	sand.u32 $0x1, s0;
	s7 =	smul.u32 $0x14000, s15  }
0x8: {  	[smem:$0x7FF] =	sst s4;
	s10 =	sadd.s32 $0x5FC00, s6;
	s11 =	smul.u32 $0x50000, s15  }
0x9: {  	s26 =	sshll.u32 s15, $0x6;
	s31 =	smul.u32 $0x500, s15;
	s2 =	sshll.u32 s0, $0x4  }
0xa: {  	s5 =	smul.u32 $0x140000, s0;
	_ =	strace $0x8000004A;
	s9 =	ssub.s32 $0x2, s0  }
0xb: {  	s0 =	smul.u32 $0x5000, s0;
	s2 =	sor.u32 s15, s2;
	s12 =	sshrl.u32 s9, $0x1  }
0xc: {  	s25 =	sshrl.u32 s11, $0x2;
	s2 =	smul.u32 $0x500, s2;
	s7 =	sadd.s32 s7, s5  }
0xd: {  	s5 =	sadd.s32 $0x3400, s6;
	s12 =	ssub.s32 s9, s12;
	s14 =	sadd.s32 s25, s3  }
0xe: {  	s0 =	sadd.s32 s0, s10;
	s25 =	simm.s32 $0x3;
	s7 =	sshrl.u32 s7, $0x3  }
.Ltmp0:
0xf: {  	s11 =	smax.u32 s12, $0x1;
	s0 =	sadd.s32 s31, s0;
	(pc) =	sbr.rel .LBB2_1-.Ltmp0, $4  }
0x10: {  	s15 =	sshrl.u32 s14, $0x3;
	s8 =	sadd.s32 s2, s6;
	s13 =	sadd.s32 s7, s6  }
0x11: {  	s6 =	sor.u32 $0x1C07, s26;
	s7 =	sadd.s32 s10, s2;
	s2 =	sadd.s32 $0x50, s0  }
0x12: {  	s26 =	simm.s32 $0x5;
	s8 =	sadd.s32 $0x55C00, s8;
	s9 =	sadd.s32 $0x10, s7  }
0x13: {  	s10 =	sadd.s32 $0x69C00, s13;
	s12 =	sadd.s32 $0x20, s7;
	s13 =	sadd.s32 $0x30, s7  }
.LBB2_4:
0x14: {  	[spmem:s3] =	stream.indirect.scatter.add.f32 [tilespmem:s21], [sflag:$0x6], $0x80, s0, s19, $0xb8;
	[tilespmem:$0x1E900] =	vst v63  }
0x15: {  	_ =	swait.ge [sflag:s26], $0x3E80  }
0x16: {  	[sflag:s26] =	ssyncset.done $0x0  }
0x17: {  	[sflag:s26] =	ssyncadd.s32 $0xFFFFC180  }
0x18: {  	_ =	swait.ge [sflag:s29], $0x3E80  }
0x19: {  	s30 =	sadd.s32 $0x1, s30;
	[sflag:s29] =	ssyncset.done $0x0  }
0x1a: {  	p0 =	sne.s32 s30, s11;
	[sflag:s29] =	ssyncadd.s32 $0xFFFFC180  }
.Ltmp1:
0x1b: {  	[bflag:$0x0] =	sbarrier.arrive $0xFFFF;
	(pc) =	sbr.rel @!p0 .LBB2_5-.Ltmp1, $4  }
0x1c: {  	[hbm:s10], [sflag:s6] =	dma.local [spmem:s15], $0x2800  }
0x1d: {  	_ =	swait.ge [sflag:s16], $0x2800  }
0x1e: {  	[sflag:s16] =	ssyncset.done $0x0  }
0x1f: {  	[sflag:s16] =	ssyncadd.s32 $0xFFFFD800  }
.LBB2_1:
0x20: {  	[spmem:s15], [sflag:s6] =	dma.local [hbm:s5], $0x2800  }
0x21: {  	_ =	swait.ge [sflag:s16], $0x2800  }
0x22: {  	[sflag:s16] =	ssyncset.done $0x0  }
0x23: {  	[sflag:s16] =	ssyncadd.s32 $0xFFFFD800  }
0x24: {  	[tilespmem:s17], [sflag:$0x7] =	stream.linear.gather [hbm4b:s8+s4], $0x2800, $0x38;
	[tilespmem:$0x1E900] =	vst v63  }
0x25: {  	_ =	swait.ge [sflag:s16], $0x2800  }
0x26: {  	[sflag:s16] =	ssyncset.done $0x0  }
0x27: {  	[sflag:s16] =	ssyncadd.s32 $0xFFFFD800  }
0x28: {  	[tilespmem:s4], [sflag:$0x7] =	stream.linear.gather [hbm4b:s7+s4], $0x80, $0x38;
	[tilespmem:$0x1E900] =	vst v63  }
0x29: {  	_ =	swait.ge [sflag:s16], $0x80  }
0x2a: {  	[sflag:s16] =	ssyncset.done $0x0  }
0x2b: {  	[sflag:s16] =	ssyncadd.s32 $0xFFFFFF80  }
0x2c: {  	[tilespmem:s18], [sflag:$0x7] =	stream.linear.gather [hbm4b:s9+s4], $0x80, $0x38;
	[tilespmem:$0x1E900] =	vst v63  }
0x2d: {  	_ =	swait.ge [sflag:s16], $0x80  }
0x2e: {  	[sflag:s16] =	ssyncset.done $0x0  }
0x2f: {  	[sflag:s16] =	ssyncadd.s32 $0xFFFFFF80  }
0x30: {  	[bflag:$0x0] =	sbarrier.arrive $0xFFFF  }
0x31: {  	[tilespmem:s20], [sflag:$0x1] =	stream.indirect.gather [hbm4b:s1+s19], $0x80, s4, s19, $0xb8;
	[tilespmem:$0x1E900] =	vst v63  }
0x32: {  	_ = 	snop  }
0x33: {  	[tilespmem:s21], [sflag:$0x2] =	stream.indirect.gather [hbm4b:s1+s19], $0x80, s18, s19, $0xb8;
	[tilespmem:$0x1E900] =	vst v63  }
0x34: {  	_ =	swait.ge [sflag:s22], $0x3E80  }
0x35: {  	[sflag:s22] =	ssyncset.done $0x0  }
0x36: {  	[sflag:s22] =	ssyncadd.s32 $0xFFFFC180  }
0x37: {  	[tilespmem:s4], [sflag:$0x3] =	stream.linear.gather [hbm4b:s12+s4], $0x80, $0x38;
	[tilespmem:$0x1E900] =	vst v63  }
0x38: {  	_ = 	snop  }
0x39: {  	[spmem:s3] =	stream.indirect.scatter.add.f32 [tilespmem:s20], [sflag:$0x5], $0x80, s17, s19, $0xb8;
	[tilespmem:$0x1E900] =	vst v63  }
0x3a: {  	_ =	swait.ge [sflag:s23], $0x3E80  }
0x3b: {  	[sflag:s23] =	ssyncset.done $0x0  }
0x3c: {  	[sflag:s23] =	ssyncadd.s32 $0xFFFFC180  }
0x3d: {  	[tilespmem:s18], [sflag:$0x4] =	stream.linear.gather [hbm4b:s13+s4], $0x80, $0x38;
	[tilespmem:$0x1E900] =	vst v63  }
0x3e: {  	s0 =	simm.s32 $0x180  }
0x3f: {  	[spmem:s3] =	stream.indirect.scatter.add.f32 [tilespmem:s21], [sflag:$0x6], $0x80, s0, s19, $0xb8;
	[tilespmem:$0x1E900] =	vst v63  }
0x40: {  	_ =	swait.ge [sflag:s25], $0x80  }
0x41: {  	[sflag:s25] =	ssyncset.done $0x0  }
0x42: {  	[sflag:s25] =	ssyncadd.s32 $0xFFFFFF80  }
0x43: {  	_ =	swait.ge [sflag:s26], $0x3E80  }
0x44: {  	[sflag:s26] =	ssyncset.done $0x0  }
0x45: {  	s31 =	simm.s32 $0x400;
	s14 =	smov.u32 s2;
	[sflag:s26] =	ssyncadd.s32 $0xFFFFC180  }
0x46: {  	[tilespmem:s20], [sflag:$0x1] =	stream.indirect.gather [hbm4b:s1+s19], $0x80, s4, s19, $0xb8;
	[tilespmem:$0x1E900] =	vst v63  }
.LBB2_2:
0x47: {  	_ =	swait.ge [sflag:s22], $0x3E80  }
0x48: {  	p0 =	seq.s32 s31, $0x9C00;
	[sflag:s22] =	ssyncset.done $0x0  }
0x49: {  	s0 =	sadd.s32 @!p0 $0xFFFFFFF0, s14;
	s24 =	simm.s32 @!p0 $0x0;
	[sflag:s22] =	ssyncadd.s32 $0xFFFFC180  }
0x4a: {  	[tilespmem:s24], [sflag:$0x3] =	stream.linear.gather @!p0 [hbm4b:s0+s24], $0x80, $0x38;
	[tilespmem:$0x1E900] =	vst v63  }
0x4b: {  	s0 =	sshra.s32 @!p0 s31, $0x2  }
0x4c: {  	s0 =	sadd.s32 @!p0 $0x100, s0  }
0x4d: {  	s0 =	simm.s32 @p0 $0x2800  }
0x4e: {  	[spmem:s3] =	stream.indirect.scatter.add.f32 [tilespmem:s20], [sflag:$0x5], $0x80, s0, s19, $0xb8;
	[tilespmem:$0x1E900] =	vst v63  }
0x4f: {  	_ =	swait.ge [sflag:s28], $0x80  }
0x50: {  	[sflag:s28] =	ssyncset.done $0x0  }
0x51: {  	[sflag:s28] =	ssyncadd.s32 $0xFFFFFF80  }
0x52: {  	_ =	swait.ge [sflag:s29], $0x3E80  }
0x53: {  	[sflag:s29] =	ssyncset.done $0x0  }
.Ltmp2:
0x54: {  	[sflag:s29] =	ssyncadd.s32 $0xFFFFC180;
	(pc) =	sbr.rel @p0 .LBB2_4-.Ltmp2, $4  }
0x55: {  	[tilespmem:s21], [sflag:$0x2] =	stream.indirect.gather [hbm4b:s1+s19], $0x80, s18, s19, $0xb8;
	[tilespmem:$0x1E900] =	vst v63  }
0x56: {  	_ =	swait.ge [sflag:s23], $0x3E80  }
0x57: {  	[sflag:s23] =	ssyncset.done $0x0  }
0x58: {  	s0 =	sadd.s32 $0x80, s0;
	[sflag:s23] =	ssyncadd.s32 $0xFFFFC180  }
0x59: {  	[tilespmem:s18], [sflag:$0x4] =	stream.linear.gather [hbm4b:s14+s4], $0x80, $0x38;
	[tilespmem:$0x1E900] =	vst v63  }
0x5a: {  	_ = 	snop  }
0x5b: {  	[spmem:s3] =	stream.indirect.scatter.add.f32 [tilespmem:s21], [sflag:$0x6], $0x80, s0, s19, $0xb8;
	[tilespmem:$0x1E900] =	vst v63  }
0x5c: {  	_ =	swait.ge [sflag:s25], $0x80  }
0x5d: {  	[sflag:s25] =	ssyncset.done $0x0  }
.Ltmp3:
0x5e: {  	[sflag:s25] =	ssyncadd.s32 $0xFFFFFF80;
	(pc) =	sbr.rel .LBB2_2-.Ltmp3, $4  }
0x5f: {  	_ =	swait.ge [sflag:s26], $0x3E80  }
0x60: {  	[sflag:s26] =	ssyncset.done $0x0  }
0x61: {  	s31 =	sadd.s32 $0x400, s31;
	s14 =	sadd.s32 $0x20, s14;
	[sflag:s26] =	ssyncadd.s32 $0xFFFFC180  }
0x62: {  	[tilespmem:s20], [sflag:$0x1] =	stream.indirect.gather [hbm4b:s1+s19], $0x80, s4, s19, $0xb8;
	[tilespmem:$0x1E900] =	vst v63  }
.LBB2_5:
0x63: {  	_ =	sfence.sel $0x180000  }
0x64: {  	[bflag:$0x0] =	sbarrier.arrive $0xFFFF  }
0x65: {  	_ =	strace $0x9000004A  }
0x66: {  	s0 =	stileid.u32;
	[bflag:$0x2] =	sbarrier.arrive $0xFFFF  }
0x67: {  	p0 =	sne.s32 s0, $0x0;
	s0 =	rddreg [dreg:$0x3]  }
0x68: {  	s0 =	sadd.s32 @!p0 $0x100000, s0  }
0x69: {  	[sflag:s0] =	ssyncadd.tile.s32 @!p0 $0x1;
	_ =	shalt  }
.Lfunc_end2:
_tile_overlayer_lowered:
.L_overlay_start_2:
0x6a: {  	(tag) =	ssettag $0x2  }
0x6b: {  	s0 =	rddreg [dreg:$0x0];
	s2 =	stileid.u32  }
0x6c: {  	s1 =	rddreg [dreg:$0x1];
	p0 =	sne.s32 s2, $0x0  }
0x6d: {  	s3 =	rddreg [dreg:$0x2];
	[bflag:$0x3] =	sbarrier.arrive $0xFFFF;
	s2 =	simm.s32 @!p0 $0x1C07  }
0x6e: {  	[timem:s3], [sflag:s2] =	dma.local @!p0 [hbm:s0], s1  }
0x6f: {  	s0 =	simm.s32 @!p0 $0x7  }
0x70: {  	_ =	swait.ge @!p0 [sflag:s0], s1  }
0x71: {  	s1 =	ssub.s32 @!p0 $0x0, s1;
	[sflag:s0] =	ssyncset.done @!p0 $0x0  }
0x72: {  	[sflag:s0] =	ssyncadd.s32 @!p0 s1  }
0x73: {  	[bflag:$0x3] =	sbarrier.arrive $0xFFFF  }
0x74: {  	_ =	shalt  }

// kernel: kernel.15.cloned.1.call-start
scs
__scs_entry_jumppad:
0x0: {  	(pc) =	sbr.rel $0x88, $3  }
0x1: {  	(tag) =	ssettag $0x0;
	lr =	simm.s32 $0x1  }
0x2: {  	[smem:$0x3F9B] =	sst lr;
	_ =	strace $0xD0000000  }
0x3: {  	_ = 	snop  }
0x4: {  	_ = 	snop  }
0x5: {  	_ = 	snop  }
0x6: {  	_ = 	snop  }
0x7: {  	_ = 	snop  }
__scs_overlays_trampoline_lowered:
0x8: {  	[smem:$0x3FAA] =	sst s0  }
0x9: {  	[smem:$0x3FAB] =	sst s1  }
0xa: {  	[smem:$0x3FAC] =	sst s2  }
0xb: {  	[smem:$0x3FAD] =	sst s3  }
0xc: {  	[smem:$0x3FAE] =	sst s4  }
0xd: {  	[smem:$0x3FAF] =	sst s5  }
0xe: {  	[smem:$0x3FB0] =	sst s6  }
0xf: {  	[smem:$0x3FB1] =	sst s7  }
0x10: {  	[smem:$0x3FB2] =	sst s8  }
0x11: {  	[smem:$0x3FB3] =	sst s9;
	s0 =	simm.s32 @!p0 $0x0  }
0x12: {  	s1 =	sld [smem:$0x3F99];
	s0 =	simm.s32 @p0 $0x1  }
0x13: {  	[smem:$0x3FB4] =	sst s0;
	s0 =	simm.s32 @!p1 $0x0  }
0x14: {  	s2 =	sld [smem:$0x3F98];
	s0 =	simm.s32 @p1 $0x1  }
0x15: {  	[smem:$0x3FB5] =	sst s0;
	s0 =	simm.s32 @!p2 $0x0  }
0x16: {  	s3 =	sld [smem:$0x3FDB];
	s0 =	simm.s32 @p2 $0x1  }
0x17: {  	s4 =	simm.s32 $0x1BF5;
	[smem:$0x3FB7] =	sst s0  }
0x18: {  	s0 =	sld [smem:$0x3F9A];
	_ =	swait.ge [sflag:s4], $0x0  }
0x19: {  	s7 =	sld [smem:$0x3F9B]  }
0x1a: {  	s8 =	sadd.s32 $0xFFFFE003, lr  }
0x1b: {  	s9 =	sadd.s32 $0xFFFFFEF7, lr;
	s5 =	simm.s32 $0xFFFFFFFF;
	p2 =	slt.u32 s8, $0xFFFFF086  }
0x1c: {  	p1 =	slt.u32 s9, $0xF7A;
	s5 =	simm.s32 @!p2 $0x0  }
0x1d: {  	s5 =	simm.s32 @p1 $0x1;
	p0 =	seq.s32 s7, s2  }
0x1e: {  	s7 =	smul.u32 @!p0 $0xF7A, s2;
	p2 =	seq.s32 @!p0 s5, $0x0  }
0x1f: {  	s9 =	smul.u32 $0xF7A, s1;
	s8 =	simm.s32 @!p0 $0x1BF5;
	p2 =	por !p2, p0  }
0x20: {  	[sflag:s8] =	ssyncset.s32 @!p0 $0xFFFFF086;
	s6 =	sadd.s32 @!p0 s3, s7;
	s7 =	simm.s32 @!p0 $0x108  }
0x21: {  	s3 =	sadd.s32 s3, s9;
	s6 =	sadd.s32 @!p0 $0x88, s6;
	s7 =	simm.s32 @p2 $0x1082  }
0x22: {  	[simem:s7], [sflag:s8] =	dma.local @!p0 [hbm:s6], $0xF7A  }
0x23: {  	s9 =	sor.u32 $0xD0000000, s2;
	s6 =	simm.s32 $0x108;
	_ =	swait.ge @!p0 [sflag:s8], $0x0  }
0x24: {  	s3 =	sadd.s32 $0x88, s3;
	s6 =	simm.s32 @!p1 $0x1082;
	[sflag:s4] =	ssyncset.s32 $0xFFFFF086  }
0x25: {  	[simem:s6], [sflag:s4] =	dma.local [hbm:s3], $0xF7A  }
0x26: {  	[smem:$0x3F9B] =	sst s1;
	(tag) =	ssettag s2;
	_ =	strace s9  }
0x27: {  	s1 =	sld [smem:$0x3FAB]  }
0x28: {  	s2 =	sld [smem:$0x3FAC]  }
0x29: {  	s4 =	sld [smem:$0x3FAE]  }
0x2a: {  	p0 =	seq.s32 s5, $0x0;
	s5 =	sld [smem:$0x3FAF]  }
0x2b: {  	s6 =	sld [smem:$0x3FB0]  }
0x2c: {  	s7 =	sld [smem:$0x3FB1]  }
0x2d: {  	s3 =	simm.s32 $0x108;
	s8 =	sld [smem:$0x3FB2]  }
0x2e: {  	s3 =	simm.s32 @!p0 $0x1082;
	s9 =	sld [smem:$0x3FB3]  }
0x2f: {  	lr =	sadd.s32 s0, s3;
	s0 =	sld [smem:$0x3FAA]  }
0x30: {  	s3 =	sld [smem:$0x3FAD]  }
0x31: {  	[smem:$0x3FB6] =	sst s10  }
0x32: {  	s10 =	sld [smem:$0x3FB4];
	_ =	sdelay $0x3  }
0x33: {  	p0 =	seq.s32 s10, $0x1;
	s10 =	sld [smem:$0x3FB6];
	_ =	sdelay $0x3  }
0x34: {  	[smem:$0x3FB6] =	sst s10  }
0x35: {  	s10 =	sld [smem:$0x3FB5];
	_ =	sdelay $0x3  }
0x36: {  	p1 =	seq.s32 s10, $0x1;
	s10 =	sld [smem:$0x3FB6];
	_ =	sdelay $0x3  }
0x37: {  	[smem:$0x3FB6] =	sst s10  }
0x38: {  	s10 =	sld [smem:$0x3FB7]  }
0x39: {  	_ = 	snop;
	(pc) =	sbr.ind lr, $3  }
0x3a: {  	_ = 	snop  }
0x3b: {  	_ = 	snop  }
0x3c: {  	p2 =	seq.s32 s10, $0x1;
	s10 =	sld [smem:$0x3FB6]  }
0x3d: {  	_ =	shalt  }
0x3e: {  	_ =	shalt  }
0x3f: {  	_ =	shalt  }
0x40: {  	_ =	shalt  }
0x41: {  	_ =	shalt  }
0x42: {  	_ =	shalt  }
0x43: {  	_ =	shalt  }
0x44: {  	_ =	shalt  }
0x45: {  	_ =	shalt  }
0x46: {  	_ =	shalt  }
0x47: {  	_ =	shalt  }
0x48: {  	_ =	shalt  }
0x49: {  	_ =	shalt  }
0x4a: {  	_ =	shalt  }
0x4b: {  	_ =	shalt  }
0x4c: {  	_ =	shalt  }
0x4d: {  	_ =	shalt  }
0x4e: {  	_ =	shalt  }
0x4f: {  	_ =	shalt  }
0x50: {  	_ =	shalt  }
0x51: {  	_ =	shalt  }
0x52: {  	_ =	shalt  }
0x53: {  	_ =	shalt  }
0x54: {  	_ =	shalt  }
0x55: {  	_ =	shalt  }
0x56: {  	_ =	shalt  }
0x57: {  	_ =	shalt  }
0x58: {  	_ =	shalt  }
0x59: {  	_ =	shalt  }
0x5a: {  	_ =	shalt  }
0x5b: {  	_ =	shalt  }
0x5c: {  	_ =	shalt  }
0x5d: {  	_ =	shalt  }
0x5e: {  	_ =	shalt  }
0x5f: {  	_ =	shalt  }
0x60: {  	_ =	shalt  }
0x61: {  	_ =	shalt  }
0x62: {  	_ =	shalt  }
0x63: {  	_ =	shalt  }
0x64: {  	_ =	shalt  }
0x65: {  	_ =	shalt  }
0x66: {  	_ =	shalt  }
0x67: {  	_ =	shalt  }
0x68: {  	_ =	shalt  }
0x69: {  	_ =	shalt  }
0x6a: {  	_ =	shalt  }
0x6b: {  	_ =	shalt  }
0x6c: {  	_ =	shalt  }
0x6d: {  	_ =	shalt  }
0x6e: {  	_ =	shalt  }
0x6f: {  	_ =	shalt  }
0x70: {  	_ =	shalt  }
0x71: {  	_ =	shalt  }
0x72: {  	_ =	shalt  }
0x73: {  	_ =	shalt  }
0x74: {  	_ =	shalt  }
0x75: {  	_ =	shalt  }
0x76: {  	_ =	shalt  }
0x77: {  	_ =	shalt  }
0x78: {  	_ =	shalt  }
0x79: {  	_ =	shalt  }
0x7a: {  	_ =	shalt  }
0x7b: {  	_ =	shalt  }
0x7c: {  	_ =	shalt  }
0x7d: {  	_ =	shalt  }
0x7e: {  	_ =	shalt  }
0x7f: {  	_ =	shalt  }
0x80: {  	_ =	shalt  }
0x81: {  	_ =	shalt  }
0x82: {  	_ =	shalt  }
0x83: {  	_ =	shalt  }
0x84: {  	_ =	shalt  }
0x85: {  	_ =	shalt  }
0x86: {  	_ =	shalt  }
0x87: {  	_ =	shalt  }
.Lfunc_end0:
.L_simem_size_0:
called_computation.2_lowered:
.L_overlay_start_0:
0x88: {  	s2 =	sld [smem:$0x3FD9]  }
0x89: {  	s3 =	sld [smem:$0x3FFE];
	_ =	sdelay $0x1  }
0x8a: {  	s1 =	srdreg.scid  }
0x8b: {  	s0 =	sand.u32 $0x1, s1  }
0x8c: {  	s17 =	sshll.u32 s0, $0xA;
	s2 =	sadd.s32 s3, s2  }
0x8d: {  	s2 =	sadd.s32 s2, s17  }
0x8e: {  	[smem:$0x3FC2] =	sst s2  }
0x8f: {  	_ = 	snop  }
0x90: {  	s2 =	sld [smem:$0x3FD0];
	(tm) =	ssettm $0x1  }
0x91: {  	s18 =	sld [smem:$0x3FFB];
	_ =	sdelay $0x3  }
0x92: {  	_ =	strace s18  }
0x93: {  	s3 =	sld [smem:$0x3FFC];
	_ =	sdelay $0x3  }
0x94: {  	_ =	strace s3  }
0x95: {  	s3 =	sld [smem:$0x3FFD];
	_ =	sdelay $0x3  }
0x96: {  	_ =	strace s3  }
0x97: {  	_ =	strace $0x8FFFFFFF  }
0x98: {  	s19 =	sld [smem:$0x3FDB];
	_ =	sdelay $0x1  }
0x99: {  	s4 =	simm.s32 $_scs_section_size  }
0x9a: {  	s5 =	simm.s32 $_size__tile_overlayer_lowered;
	s6 =	simm.s32 $_tile_overlayer_lowered  }
0x9b: {  	s22 =	simm.s32 $0x1BFF;
	s21 =	sshll.u32 s6, $0x1;
	s3 =	sadd.s32 s4, s19  }
0x9c: {  	s7 =	simm.s32 $0x0;
	s20 =	sshll.u32 s5, $0x1;
	s5 =	sadd.s32 s21, s3  }
0x9d: {  	[timem:s7], [sflag:s22] =	dma.local [hbm:s5], s20  }
0x9e: {  	_ =	swait.ge [sflag:s22], s20  }
0x9f: {  	s4 =	ssub.s32 $0x0, s20;
	[sflag:s22] =	ssyncset.done $0x0  }
0xa0: {  	[sflag:s22] =	ssyncadd.s32 s4;
	_ =	sdelay $0x1  }
0xa1: {  	s23 =	simm.s32 $0x1B8B  }
0xa2: {  	_ =	swait.ge [sflag:s23], $0x1  }
0xa3: {  	[sflag:s23] =	ssyncset.done $0x0  }
0xa4: {  	s25 =	simm.s32 $0x1B8E;
	s24 =	sld [smem:$0x3FFE];
	[sflag:s23] =	ssyncadd.s32 $0xFFFFFFFF  }
0xa5: {  	s26 =	simm.s32 $execute0_lowered;
	[smem:$0x3FD2] =	sst s25  }
0xa6: {  	s5 =	sshll.u32 s26, $0x1;
	_ =	strace $0x8000004C;
	[dreg:$0x1] =	wrdreg $0xFFFFFFFF  }
0xa7: {  	s28 =	simm.s32 $_size_execute0_lowered;
	s3 =	sadd.s32 s3, s5;
	[dreg:$0x0] =	wrdreg $0x0  }
0xa8: {  	s5 =	sshll.u32 s28, $0x1;
	[dreg:$0x2] =	wrdreg s3  }
0xa9: {  	[dreg:$0x3] =	wrdreg s5  }
0xaa: {  	[dreg:$0x4] =	wrdreg $0xC0  }
0xab: {  	_ =	task [dreg:s7], $0x5FFFF  }
0xac: {  	[dreg:$0x1] =	wrdreg $0xFFFFFFFF  }
0xad: {  	[dreg:$0x0] =	wrdreg $0x60  }
0xae: {  	[dreg:$0x2] =	wrdreg s2  }
0xaf: {  	[dreg:$0x3] =	wrdreg s24  }
0xb0: {  	[dreg:$0x4] =	wrdreg $0xA9000  }
0xb1: {  	[dreg:$0x5] =	wrdreg $0x9  }
0xb2: {  	_ =	task.clear_ibuf [dreg:s7], $0x6FFFF;
	_ =	strace $0x9000004C  }
0xb3: {  	s29 =	simm.s32 $0x9;
	_ =	strace $0x8000004E  }
0xb4: {  	_ =	swait.ge [sflag:s29], $0x1  }
0xb5: {  	[sflag:s29] =	ssyncadd.s32 $0xFFFFFFFF  }
0xb6: {  	_ =	strace $0x9000004E  }
0xb7: {  	_ =	sfence  }
0xb8: {  	s30 =	sld [smem:$0x0];
	_ =	sdelay $0x2  }
0xb9: {  	s31 =	sshll.u32 s1, $0xD;
	s1 =	sshrl.u32 s1, $0x2  }
0xba: {  	s3 =	sand.u32 $0x4000, s31;
	s1 =	sadd.s32 s1, s30  }
0xbb: {  	s0 =	sor.u32 s3, s0;
	s1 =	sshll.u32 s1, $0x11  }
0xbc: {  	s0 =	sor.u32 s1, s0  }
0xbd: {  	s0 =	sadd.s32 $0x8F2B, s0  }
0xbe: {  	[sflag:s0] =	ssyncadd.remote.s32 $0x1  }
0xbf: {  	_ =	sfence.sel $0xFFFF  }
0xc0: {  	[dreg:$0x0] =	wrdreg $0xFFFFFFFF;
	(pc) =	sbr.abs _section_cstart, $3  }
0xc1: {  	[dreg:$0x1] =	wrdreg $0xFFFFFFFF  }
0xc2: {  	_ =	task.clear_ibuf [dreg:s7], $0x2FFFF;
	_ =	strace $0x9FFFFFFF  }
0xc3: {  	(tm) =	ssettm $0x7FFFFFFF  }
tec
execute0_lowered:
.L_overlay_start_1:
0x0: {  	(tag) =	ssettag $0x1  }
0x1: {  	s0 =	srdreg.scid;
	s1 =	rddreg [dreg:$0x0]  }
0x2: {  	s15 =	stileid.u32;
	s6 =	rddreg [dreg:$0x1]  }
0x3: {  	s3 =	rddreg [dreg:$0x2];
	s4 =	simm.s32 $0x0;
	s16 =	simm.s32 $0x7  }
0x4: {  	s17 =	simm.s32 $0x100;
	s18 =	simm.s32 $0x80;
	s19 =	simm.s32 $0x7D  }
0x5: {  	s20 =	simm.s32 $0x2900;
	s21 =	simm.s32 $0x6900;
	s22 =	simm.s32 $0x1  }
0x6: {  	s23 =	simm.s32 $0x2;
	s28 =	simm.s32 $0x4;
	s29 =	simm.s32 $0x6  }
0x7: {  	s30 =	simm.s32 $0x0;
	s0 =	sand.u32 $0x1, s0;
	s7 =	smul.u32 $0x14000, s15  }
0x8: {  	[smem:$0x7FF] =	sst s4;
	s10 =	sadd.s32 $0x5FC00, s6;
	s11 =	smul.u32 $0x50000, s15  }
0x9: {  	s26 =	sshll.u32 s15, $0x6;
	s31 =	smul.u32 $0x500, s15;
	s2 =	sshll.u32 s0, $0x4  }
0xa: {  	s5 =	smul.u32 $0x140000, s0;
	_ =	strace $0x8000004D;
	s9 =	ssub.s32 $0x2, s0  }
0xb: {  	s0 =	smul.u32 $0x5000, s0;
	s2 =	sor.u32 s15, s2;
	s12 =	sshrl.u32 s9, $0x1  }
0xc: {  	s25 =	sshrl.u32 s11, $0x2;
	s2 =	smul.u32 $0x500, s2;
	s7 =	sadd.s32 s7, s5  }
0xd: {  	s5 =	sadd.s32 $0x3400, s6;
	s12 =	ssub.s32 s9, s12;
	s14 =	sadd.s32 s25, s3  }
0xe: {  	s0 =	sadd.s32 s0, s10;
	s25 =	simm.s32 $0x3;
	s7 =	sshrl.u32 s7, $0x3  }
.Ltmp0:
0xf: {  	s11 =	smax.u32 s12, $0x1;
	s0 =	sadd.s32 s31, s0;
	(pc) =	sbr.rel .LBB2_1-.Ltmp0, $4  }
0x10: {  	s15 =	sshrl.u32 s14, $0x3;
	s8 =	sadd.s32 s2, s6;
	s13 =	sadd.s32 s7, s6  }
0x11: {  	s6 =	sor.u32 $0x1C07, s26;
	s7 =	sadd.s32 s10, s2;
	s2 =	sadd.s32 $0x50, s0  }
0x12: {  	s26 =	simm.s32 $0x5;
	s8 =	sadd.s32 $0x55C00, s8;
	s9 =	sadd.s32 $0x10, s7  }
0x13: {  	s10 =	sadd.s32 $0x69C00, s13;
	s12 =	sadd.s32 $0x20, s7;
	s13 =	sadd.s32 $0x30, s7  }
.LBB2_4:
0x14: {  	[spmem:s3] =	stream.indirect.scatter.add.f32 [tilespmem:s21], [sflag:$0x6], $0x80, s0, s19, $0xb8;
	[tilespmem:$0x1E900] =	vst v63  }
0x15: {  	_ =	swait.ge [sflag:s26], $0x3E80  }
0x16: {  	[sflag:s26] =	ssyncset.done $0x0  }
0x17: {  	[sflag:s26] =	ssyncadd.s32 $0xFFFFC180  }
0x18: {  	_ =	swait.ge [sflag:s29], $0x3E80  }
0x19: {  	s30 =	sadd.s32 $0x1, s30;
	[sflag:s29] =	ssyncset.done $0x0  }
0x1a: {  	p0 =	sne.s32 s30, s11;
	[sflag:s29] =	ssyncadd.s32 $0xFFFFC180  }
.Ltmp1:
0x1b: {  	[bflag:$0x0] =	sbarrier.arrive $0xFFFF;
	(pc) =	sbr.rel @!p0 .LBB2_5-.Ltmp1, $4  }
0x1c: {  	[hbm:s10], [sflag:s6] =	dma.local [spmem:s15], $0x2800  }
0x1d: {  	_ =	swait.ge [sflag:s16], $0x2800  }
0x1e: {  	[sflag:s16] =	ssyncset.done $0x0  }
0x1f: {  	[sflag:s16] =	ssyncadd.s32 $0xFFFFD800  }
.LBB2_1:
0x20: {  	[spmem:s15], [sflag:s6] =	dma.local [hbm:s5], $0x2800  }
0x21: {  	_ =	swait.ge [sflag:s16], $0x2800  }
0x22: {  	[sflag:s16] =	ssyncset.done $0x0  }
0x23: {  	[sflag:s16] =	ssyncadd.s32 $0xFFFFD800  }
0x24: {  	[tilespmem:s17], [sflag:$0x7] =	stream.linear.gather [hbm4b:s8+s4], $0x2800, $0x38;
	[tilespmem:$0x1E900] =	vst v63  }
0x25: {  	_ =	swait.ge [sflag:s16], $0x2800  }
0x26: {  	[sflag:s16] =	ssyncset.done $0x0  }
0x27: {  	[sflag:s16] =	ssyncadd.s32 $0xFFFFD800  }
0x28: {  	[tilespmem:s4], [sflag:$0x7] =	stream.linear.gather [hbm4b:s7+s4], $0x80, $0x38;
	[tilespmem:$0x1E900] =	vst v63  }
0x29: {  	_ =	swait.ge [sflag:s16], $0x80  }
0x2a: {  	[sflag:s16] =	ssyncset.done $0x0  }
0x2b: {  	[sflag:s16] =	ssyncadd.s32 $0xFFFFFF80  }
0x2c: {  	[tilespmem:s18], [sflag:$0x7] =	stream.linear.gather [hbm4b:s9+s4], $0x80, $0x38;
	[tilespmem:$0x1E900] =	vst v63  }
0x2d: {  	_ =	swait.ge [sflag:s16], $0x80  }
0x2e: {  	[sflag:s16] =	ssyncset.done $0x0  }
0x2f: {  	[sflag:s16] =	ssyncadd.s32 $0xFFFFFF80  }
0x30: {  	[bflag:$0x0] =	sbarrier.arrive $0xFFFF  }
0x31: {  	[tilespmem:s20], [sflag:$0x1] =	stream.indirect.gather [hbm4b:s1+s19], $0x80, s4, s19, $0xb8;
	[tilespmem:$0x1E900] =	vst v63  }
0x32: {  	_ = 	snop  }
0x33: {  	[tilespmem:s21], [sflag:$0x2] =	stream.indirect.gather [hbm4b:s1+s19], $0x80, s18, s19, $0xb8;
	[tilespmem:$0x1E900] =	vst v63  }
0x34: {  	_ =	swait.ge [sflag:s22], $0x3E80  }
0x35: {  	[sflag:s22] =	ssyncset.done $0x0  }
0x36: {  	[sflag:s22] =	ssyncadd.s32 $0xFFFFC180  }
0x37: {  	[tilespmem:s4], [sflag:$0x3] =	stream.linear.gather [hbm4b:s12+s4], $0x80, $0x38;
	[tilespmem:$0x1E900] =	vst v63  }
0x38: {  	_ = 	snop  }
0x39: {  	[spmem:s3] =	stream.indirect.scatter.add.f32 [tilespmem:s20], [sflag:$0x5], $0x80, s17, s19, $0xb8;
	[tilespmem:$0x1E900] =	vst v63  }
0x3a: {  	_ =	swait.ge [sflag:s23], $0x3E80  }
0x3b: {  	[sflag:s23] =	ssyncset.done $0x0  }
0x3c: {  	[sflag:s23] =	ssyncadd.s32 $0xFFFFC180  }
0x3d: {  	[tilespmem:s18], [sflag:$0x4] =	stream.linear.gather [hbm4b:s13+s4], $0x80, $0x38;
	[tilespmem:$0x1E900] =	vst v63  }
0x3e: {  	s0 =	simm.s32 $0x180  }
0x3f: {  	[spmem:s3] =	stream.indirect.scatter.add.f32 [tilespmem:s21], [sflag:$0x6], $0x80, s0, s19, $0xb8;
	[tilespmem:$0x1E900] =	vst v63  }
0x40: {  	_ =	swait.ge [sflag:s25], $0x80  }
0x41: {  	[sflag:s25] =	ssyncset.done $0x0  }
0x42: {  	[sflag:s25] =	ssyncadd.s32 $0xFFFFFF80  }
0x43: {  	_ =	swait.ge [sflag:s26], $0x3E80  }
0x44: {  	[sflag:s26] =	ssyncset.done $0x0  }
0x45: {  	s31 =	simm.s32 $0x400;
	s14 =	smov.u32 s2;
	[sflag:s26] =	ssyncadd.s32 $0xFFFFC180  }
0x46: {  	[tilespmem:s20], [sflag:$0x1] =	stream.indirect.gather [hbm4b:s1+s19], $0x80, s4, s19, $0xb8;
	[tilespmem:$0x1E900] =	vst v63  }
.LBB2_2:
0x47: {  	_ =	swait.ge [sflag:s22], $0x3E80  }
0x48: {  	p0 =	seq.s32 s31, $0x9C00;
	[sflag:s22] =	ssyncset.done $0x0  }
0x49: {  	s0 =	sadd.s32 @!p0 $0xFFFFFFF0, s14;
	s24 =	simm.s32 @!p0 $0x0;
	[sflag:s22] =	ssyncadd.s32 $0xFFFFC180  }
0x4a: {  	[tilespmem:s24], [sflag:$0x3] =	stream.linear.gather @!p0 [hbm4b:s0+s24], $0x80, $0x38;
	[tilespmem:$0x1E900] =	vst v63  }
0x4b: {  	s0 =	sshra.s32 @!p0 s31, $0x2  }
0x4c: {  	s0 =	sadd.s32 @!p0 $0x100, s0  }
0x4d: {  	s0 =	simm.s32 @p0 $0x2800  }
0x4e: {  	[spmem:s3] =	stream.indirect.scatter.add.f32 [tilespmem:s20], [sflag:$0x5], $0x80, s0, s19, $0xb8;
	[tilespmem:$0x1E900] =	vst v63  }
0x4f: {  	_ =	swait.ge [sflag:s28], $0x80  }
0x50: {  	[sflag:s28] =	ssyncset.done $0x0  }
0x51: {  	[sflag:s28] =	ssyncadd.s32 $0xFFFFFF80  }
0x52: {  	_ =	swait.ge [sflag:s29], $0x3E80  }
0x53: {  	[sflag:s29] =	ssyncset.done $0x0  }
.Ltmp2:
0x54: {  	[sflag:s29] =	ssyncadd.s32 $0xFFFFC180;
	(pc) =	sbr.rel @p0 .LBB2_4-.Ltmp2, $4  }
0x55: {  	[tilespmem:s21], [sflag:$0x2] =	stream.indirect.gather [hbm4b:s1+s19], $0x80, s18, s19, $0xb8;
	[tilespmem:$0x1E900] =	vst v63  }
0x56: {  	_ =	swait.ge [sflag:s23], $0x3E80  }
0x57: {  	[sflag:s23] =	ssyncset.done $0x0  }
0x58: {  	s0 =	sadd.s32 $0x80, s0;
	[sflag:s23] =	ssyncadd.s32 $0xFFFFC180  }
0x59: {  	[tilespmem:s18], [sflag:$0x4] =	stream.linear.gather [hbm4b:s14+s4], $0x80, $0x38;
	[tilespmem:$0x1E900] =	vst v63  }
0x5a: {  	_ = 	snop  }
0x5b: {  	[spmem:s3] =	stream.indirect.scatter.add.f32 [tilespmem:s21], [sflag:$0x6], $0x80, s0, s19, $0xb8;
	[tilespmem:$0x1E900] =	vst v63  }
0x5c: {  	_ =	swait.ge [sflag:s25], $0x80  }
0x5d: {  	[sflag:s25] =	ssyncset.done $0x0  }
.Ltmp3:
0x5e: {  	[sflag:s25] =	ssyncadd.s32 $0xFFFFFF80;
	(pc) =	sbr.rel .LBB2_2-.Ltmp3, $4  }
0x5f: {  	_ =	swait.ge [sflag:s26], $0x3E80  }
0x60: {  	[sflag:s26] =	ssyncset.done $0x0  }
0x61: {  	s31 =	sadd.s32 $0x400, s31;
	s14 =	sadd.s32 $0x20, s14;
	[sflag:s26] =	ssyncadd.s32 $0xFFFFC180  }
0x62: {  	[tilespmem:s20], [sflag:$0x1] =	stream.indirect.gather [hbm4b:s1+s19], $0x80, s4, s19, $0xb8;
	[tilespmem:$0x1E900] =	vst v63  }
.LBB2_5:
0x63: {  	_ =	sfence.sel $0x180000  }
0x64: {  	[bflag:$0x0] =	sbarrier.arrive $0xFFFF  }
0x65: {  	_ =	strace $0x9000004D  }
0x66: {  	s0 =	stileid.u32;
	[bflag:$0x2] =	sbarrier.arrive $0xFFFF  }
0x67: {  	p0 =	sne.s32 s0, $0x0;
	s0 =	rddreg [dreg:$0x3]  }
0x68: {  	s0 =	sadd.s32 @!p0 $0x100000, s0  }
0x69: {  	[sflag:s0] =	ssyncadd.tile.s32 @!p0 $0x1;
	_ =	shalt  }
.Lfunc_end2:
_tile_overlayer_lowered:
.L_overlay_start_2:
0x6a: {  	(tag) =	ssettag $0x2  }
0x6b: {  	s0 =	rddreg [dreg:$0x0];
	s2 =	stileid.u32  }
0x6c: {  	s1 =	rddreg [dreg:$0x1];
	p0 =	sne.s32 s2, $0x0  }
0x6d: {  	s3 =	rddreg [dreg:$0x2];
	[bflag:$0x3] =	sbarrier.arrive $0xFFFF;
	s2 =	simm.s32 @!p0 $0x1C07  }
0x6e: {  	[timem:s3], [sflag:s2] =	dma.local @!p0 [hbm:s0], s1  }
0x6f: {  	s0 =	simm.s32 @!p0 $0x7  }
0x70: {  	_ =	swait.ge @!p0 [sflag:s0], s1  }
0x71: {  	s1 =	ssub.s32 @!p0 $0x0, s1;
	[sflag:s0] =	ssyncset.done @!p0 $0x0  }
0x72: {  	[sflag:s0] =	ssyncadd.s32 @!p0 s1  }
0x73: {  	[bflag:$0x3] =	sbarrier.arrive $0xFFFF  }
0x74: {  	_ =	shalt  }

// kernel: kernel.9.cloned.1.call-start
scs
__scs_entry_jumppad:
0x0: {  	(pc) =	sbr.rel $0x88, $3  }
0x1: {  	(tag) =	ssettag $0x0;
	lr =	simm.s32 $0x1  }
0x2: {  	[smem:$0x3F9B] =	sst lr;
	_ =	strace $0xD0000000  }
0x3: {  	_ = 	snop  }
0x4: {  	_ = 	snop  }
0x5: {  	_ = 	snop  }
0x6: {  	_ = 	snop  }
0x7: {  	_ = 	snop  }
__scs_overlays_trampoline_lowered:
0x8: {  	[smem:$0x3FAA] =	sst s0  }
0x9: {  	[smem:$0x3FAB] =	sst s1  }
0xa: {  	[smem:$0x3FAC] =	sst s2  }
0xb: {  	[smem:$0x3FAD] =	sst s3  }
0xc: {  	[smem:$0x3FAE] =	sst s4  }
0xd: {  	[smem:$0x3FAF] =	sst s5  }
0xe: {  	[smem:$0x3FB0] =	sst s6  }
0xf: {  	[smem:$0x3FB1] =	sst s7  }
0x10: {  	[smem:$0x3FB2] =	sst s8  }
0x11: {  	[smem:$0x3FB3] =	sst s9;
	s0 =	simm.s32 @!p0 $0x0  }
0x12: {  	s1 =	sld [smem:$0x3F99];
	s0 =	simm.s32 @p0 $0x1  }
0x13: {  	[smem:$0x3FB4] =	sst s0;
	s0 =	simm.s32 @!p1 $0x0  }
0x14: {  	s2 =	sld [smem:$0x3F98];
	s0 =	simm.s32 @p1 $0x1  }
0x15: {  	[smem:$0x3FB5] =	sst s0;
	s0 =	simm.s32 @!p2 $0x0  }
0x16: {  	s3 =	sld [smem:$0x3FDB];
	s0 =	simm.s32 @p2 $0x1  }
0x17: {  	s4 =	simm.s32 $0x1BF5;
	[smem:$0x3FB7] =	sst s0  }
0x18: {  	s0 =	sld [smem:$0x3F9A];
	_ =	swait.ge [sflag:s4], $0x0  }
0x19: {  	s7 =	sld [smem:$0x3F9B]  }
0x1a: {  	s8 =	sadd.s32 $0xFFFFE003, lr  }
0x1b: {  	s9 =	sadd.s32 $0xFFFFFEF7, lr;
	s5 =	simm.s32 $0xFFFFFFFF;
	p2 =	slt.u32 s8, $0xFFFFF086  }
0x1c: {  	p1 =	slt.u32 s9, $0xF7A;
	s5 =	simm.s32 @!p2 $0x0  }
0x1d: {  	s5 =	simm.s32 @p1 $0x1;
	p0 =	seq.s32 s7, s2  }
0x1e: {  	s7 =	smul.u32 @!p0 $0xF7A, s2;
	p2 =	seq.s32 @!p0 s5, $0x0  }
0x1f: {  	s9 =	smul.u32 $0xF7A, s1;
	s8 =	simm.s32 @!p0 $0x1BF5;
	p2 =	por !p2, p0  }
0x20: {  	[sflag:s8] =	ssyncset.s32 @!p0 $0xFFFFF086;
	s6 =	sadd.s32 @!p0 s3, s7;
	s7 =	simm.s32 @!p0 $0x108  }
0x21: {  	s3 =	sadd.s32 s3, s9;
	s6 =	sadd.s32 @!p0 $0x88, s6;
	s7 =	simm.s32 @p2 $0x1082  }
0x22: {  	[simem:s7], [sflag:s8] =	dma.local @!p0 [hbm:s6], $0xF7A  }
0x23: {  	s9 =	sor.u32 $0xD0000000, s2;
	s6 =	simm.s32 $0x108;
	_ =	swait.ge @!p0 [sflag:s8], $0x0  }
0x24: {  	s3 =	sadd.s32 $0x88, s3;
	s6 =	simm.s32 @!p1 $0x1082;
	[sflag:s4] =	ssyncset.s32 $0xFFFFF086  }
0x25: {  	[simem:s6], [sflag:s4] =	dma.local [hbm:s3], $0xF7A  }
0x26: {  	[smem:$0x3F9B] =	sst s1;
	(tag) =	ssettag s2;
	_ =	strace s9  }
0x27: {  	s1 =	sld [smem:$0x3FAB]  }
0x28: {  	s2 =	sld [smem:$0x3FAC]  }
0x29: {  	s4 =	sld [smem:$0x3FAE]  }
0x2a: {  	p0 =	seq.s32 s5, $0x0;
	s5 =	sld [smem:$0x3FAF]  }
0x2b: {  	s6 =	sld [smem:$0x3FB0]  }
0x2c: {  	s7 =	sld [smem:$0x3FB1]  }
0x2d: {  	s3 =	simm.s32 $0x108;
	s8 =	sld [smem:$0x3FB2]  }
0x2e: {  	s3 =	simm.s32 @!p0 $0x1082;
	s9 =	sld [smem:$0x3FB3]  }
0x2f: {  	lr =	sadd.s32 s0, s3;
	s0 =	sld [smem:$0x3FAA]  }
0x30: {  	s3 =	sld [smem:$0x3FAD]  }
0x31: {  	[smem:$0x3FB6] =	sst s10  }
0x32: {  	s10 =	sld [smem:$0x3FB4];
	_ =	sdelay $0x3  }
0x33: {  	p0 =	seq.s32 s10, $0x1;
	s10 =	sld [smem:$0x3FB6];
	_ =	sdelay $0x3  }
0x34: {  	[smem:$0x3FB6] =	sst s10  }
0x35: {  	s10 =	sld [smem:$0x3FB5];
	_ =	sdelay $0x3  }
0x36: {  	p1 =	seq.s32 s10, $0x1;
	s10 =	sld [smem:$0x3FB6];
	_ =	sdelay $0x3  }
0x37: {  	[smem:$0x3FB6] =	sst s10  }
0x38: {  	s10 =	sld [smem:$0x3FB7]  }
0x39: {  	_ = 	snop;
	(pc) =	sbr.ind lr, $3  }
0x3a: {  	_ = 	snop  }
0x3b: {  	_ = 	snop  }
0x3c: {  	p2 =	seq.s32 s10, $0x1;
	s10 =	sld [smem:$0x3FB6]  }
0x3d: {  	_ =	shalt  }
0x3e: {  	_ =	shalt  }
0x3f: {  	_ =	shalt  }
0x40: {  	_ =	shalt  }
0x41: {  	_ =	shalt  }
0x42: {  	_ =	shalt  }
0x43: {  	_ =	shalt  }
0x44: {  	_ =	shalt  }
0x45: {  	_ =	shalt  }
0x46: {  	_ =	shalt  }
0x47: {  	_ =	shalt  }
0x48: {  	_ =	shalt  }
0x49: {  	_ =	shalt  }
0x4a: {  	_ =	shalt  }
0x4b: {  	_ =	shalt  }
0x4c: {  	_ =	shalt  }
0x4d: {  	_ =	shalt  }
0x4e: {  	_ =	shalt  }
0x4f: {  	_ =	shalt  }
0x50: {  	_ =	shalt  }
0x51: {  	_ =	shalt  }
0x52: {  	_ =	shalt  }
0x53: {  	_ =	shalt  }
0x54: {  	_ =	shalt  }
0x55: {  	_ =	shalt  }
0x56: {  	_ =	shalt  }
0x57: {  	_ =	shalt  }
0x58: {  	_ =	shalt  }
0x59: {  	_ =	shalt  }
0x5a: {  	_ =	shalt  }
0x5b: {  	_ =	shalt  }
0x5c: {  	_ =	shalt  }
0x5d: {  	_ =	shalt  }
0x5e: {  	_ =	shalt  }
0x5f: {  	_ =	shalt  }
0x60: {  	_ =	shalt  }
0x61: {  	_ =	shalt  }
0x62: {  	_ =	shalt  }
0x63: {  	_ =	shalt  }
0x64: {  	_ =	shalt  }
0x65: {  	_ =	shalt  }
0x66: {  	_ =	shalt  }
0x67: {  	_ =	shalt  }
0x68: {  	_ =	shalt  }
0x69: {  	_ =	shalt  }
0x6a: {  	_ =	shalt  }
0x6b: {  	_ =	shalt  }
0x6c: {  	_ =	shalt  }
0x6d: {  	_ =	shalt  }
0x6e: {  	_ =	shalt  }
0x6f: {  	_ =	shalt  }
0x70: {  	_ =	shalt  }
0x71: {  	_ =	shalt  }
0x72: {  	_ =	shalt  }
0x73: {  	_ =	shalt  }
0x74: {  	_ =	shalt  }
0x75: {  	_ =	shalt  }
0x76: {  	_ =	shalt  }
0x77: {  	_ =	shalt  }
0x78: {  	_ =	shalt  }
0x79: {  	_ =	shalt  }
0x7a: {  	_ =	shalt  }
0x7b: {  	_ =	shalt  }
0x7c: {  	_ =	shalt  }
0x7d: {  	_ =	shalt  }
0x7e: {  	_ =	shalt  }
0x7f: {  	_ =	shalt  }
0x80: {  	_ =	shalt  }
0x81: {  	_ =	shalt  }
0x82: {  	_ =	shalt  }
0x83: {  	_ =	shalt  }
0x84: {  	_ =	shalt  }
0x85: {  	_ =	shalt  }
0x86: {  	_ =	shalt  }
0x87: {  	_ =	shalt  }
.Lfunc_end0:
.L_simem_size_0:
called_computation_lowered:
.L_overlay_start_0:
0x88: {  	s2 =	sld [smem:$0x3FD9]  }
0x89: {  	s3 =	sld [smem:$0x3FFE];
	_ =	sdelay $0x1  }
0x8a: {  	s1 =	srdreg.scid  }
0x8b: {  	s0 =	sand.u32 $0x1, s1  }
0x8c: {  	s17 =	sshll.u32 s0, $0xA;
	s2 =	sadd.s32 s3, s2  }
0x8d: {  	s2 =	sadd.s32 s2, s17  }
0x8e: {  	[smem:$0x3FC2] =	sst s2  }
0x8f: {  	_ = 	snop  }
0x90: {  	s2 =	sld [smem:$0x3FD0];
	(tm) =	ssettm $0x1  }
0x91: {  	s18 =	sld [smem:$0x3FFB];
	_ =	sdelay $0x3  }
0x92: {  	_ =	strace s18  }
0x93: {  	s3 =	sld [smem:$0x3FFC];
	_ =	sdelay $0x3  }
0x94: {  	_ =	strace s3  }
0x95: {  	s3 =	sld [smem:$0x3FFD];
	_ =	sdelay $0x3  }
0x96: {  	_ =	strace s3  }
0x97: {  	_ =	strace $0x8FFFFFFF  }
0x98: {  	s19 =	sld [smem:$0x3FDB];
	_ =	sdelay $0x1  }
0x99: {  	s4 =	simm.s32 $_scs_section_size  }
0x9a: {  	s5 =	simm.s32 $_size__tile_overlayer_lowered;
	s6 =	simm.s32 $_tile_overlayer_lowered  }
0x9b: {  	s22 =	simm.s32 $0x1BFF;
	s21 =	sshll.u32 s6, $0x1;
	s3 =	sadd.s32 s4, s19  }
0x9c: {  	s7 =	simm.s32 $0x0;
	s20 =	sshll.u32 s5, $0x1;
	s5 =	sadd.s32 s21, s3  }
0x9d: {  	[timem:s7], [sflag:s22] =	dma.local [hbm:s5], s20  }
0x9e: {  	_ =	swait.ge [sflag:s22], s20  }
0x9f: {  	s4 =	ssub.s32 $0x0, s20;
	[sflag:s22] =	ssyncset.done $0x0  }
0xa0: {  	[sflag:s22] =	ssyncadd.s32 s4;
	_ =	sdelay $0x1  }
0xa1: {  	s23 =	simm.s32 $0x1B8B  }
0xa2: {  	_ =	swait.ge [sflag:s23], $0x1  }
0xa3: {  	[sflag:s23] =	ssyncset.done $0x0  }
0xa4: {  	s25 =	simm.s32 $0x1B8E;
	s24 =	sld [smem:$0x3FFE];
	[sflag:s23] =	ssyncadd.s32 $0xFFFFFFFF  }
0xa5: {  	s26 =	simm.s32 $execute0_lowered;
	[smem:$0x3FD2] =	sst s25  }
0xa6: {  	s5 =	sshll.u32 s26, $0x1;
	_ =	strace $0x80000046;
	[dreg:$0x1] =	wrdreg $0xFFFFFFFF  }
0xa7: {  	s28 =	simm.s32 $_size_execute0_lowered;
	s3 =	sadd.s32 s3, s5;
	[dreg:$0x0] =	wrdreg $0x0  }
0xa8: {  	s5 =	sshll.u32 s28, $0x1;
	[dreg:$0x2] =	wrdreg s3  }
0xa9: {  	[dreg:$0x3] =	wrdreg s5  }
0xaa: {  	[dreg:$0x4] =	wrdreg $0xC0  }
0xab: {  	_ =	task [dreg:s7], $0x5FFFF  }
0xac: {  	[dreg:$0x1] =	wrdreg $0xFFFFFFFF  }
0xad: {  	[dreg:$0x0] =	wrdreg $0x60  }
0xae: {  	[dreg:$0x2] =	wrdreg s2  }
0xaf: {  	[dreg:$0x3] =	wrdreg s24  }
0xb0: {  	[dreg:$0x4] =	wrdreg $0x90000  }
0xb1: {  	[dreg:$0x5] =	wrdreg $0x9  }
0xb2: {  	_ =	task.clear_ibuf [dreg:s7], $0x6FFFF;
	_ =	strace $0x90000046  }
0xb3: {  	s29 =	simm.s32 $0x9;
	_ =	strace $0x80000048  }
0xb4: {  	_ =	swait.ge [sflag:s29], $0x1  }
0xb5: {  	[sflag:s29] =	ssyncadd.s32 $0xFFFFFFFF  }
0xb6: {  	_ =	strace $0x90000048  }
0xb7: {  	_ =	sfence  }
0xb8: {  	s30 =	sld [smem:$0x0];
	_ =	sdelay $0x2  }
0xb9: {  	s31 =	sshll.u32 s1, $0xD;
	s1 =	sshrl.u32 s1, $0x2  }
0xba: {  	s3 =	sand.u32 $0x4000, s31;
	s1 =	sadd.s32 s1, s30  }
0xbb: {  	s0 =	sor.u32 s3, s0;
	s1 =	sshll.u32 s1, $0x11  }
0xbc: {  	s0 =	sor.u32 s1, s0  }
0xbd: {  	s0 =	sadd.s32 $0x8F2B, s0  }
0xbe: {  	[sflag:s0] =	ssyncadd.remote.s32 $0x1  }
0xbf: {  	_ =	sfence.sel $0xFFFF  }
0xc0: {  	[dreg:$0x0] =	wrdreg $0xFFFFFFFF;
	(pc) =	sbr.abs _section_cstart, $3  }
0xc1: {  	[dreg:$0x1] =	wrdreg $0xFFFFFFFF  }
0xc2: {  	_ =	task.clear_ibuf [dreg:s7], $0x2FFFF;
	_ =	strace $0x9FFFFFFF  }
0xc3: {  	(tm) =	ssettm $0x7FFFFFFF  }
tec
execute0_lowered:
.L_overlay_start_1:
0x0: {  	(tag) =	ssettag $0x1  }
0x1: {  	s7 =	rddreg [dreg:$0x0]  }
0x2: {  	s6 =	rddreg [dreg:$0x1]  }
0x3: {  	s1 =	rddreg [dreg:$0x2];
	s2 =	srdreg.scid  }
0x4: {  	s0 =	rddreg [dreg:$0x3];
	s5 =	sand.u32 $0x1, s2  }
0x5: {  	s2 =	stileid.u32;
	s8 =	smul.u32 $0x140000, s5  }
0x6: {  	s3 =	simm.s32 $0x0;
	s14 =	simm.s32 $0x1;
	s9 =	smul.u32 $0x14000, s2  }
0x7: {  	s15 =	simm.s32 $0x0;
	[smem:$0x7FF] =	sst s3;
	s10 =	smul.u32 $0x50000, s2  }
0x8: {  	s4 =	sadd.s32 $0x2C00, s6;
	_ =	strace $0x80000047;
	s11 =	smul.u32 $0x50000, s5  }
0x9: {  	s26 =	ssub.s32 $0x2, s5;
	s13 =	smul.u32 $0x5000, s2;
	s5 =	sadd.s32 $0x3400, s6  }
0xa: {  	s29 =	sshll.u32 s2, $0x6;
	s12 =	sshrl.u32 s26, $0x1;
	s8 =	sadd.s32 s9, s8  }
0xb: {  	s9 =	ssub.s32 s26, s12;
	s28 =	sshrl.u32 s10, $0x2;
	s11 =	sadd.s32 s13, s11  }
0xc: {  	s12 =	simm.s32 $0x5000;
	s13 =	simm.s32 $0x7D;
	s8 =	sshrl.u32 s8, $0x3  }
0xd: {  	s30 =	sadd.s32 s28, s1;
	s31 =	sshrl.u32 s11, $0x3;
	s9 =	smax.u32 s9, $0x1  }
0xe: {  	s11 =	simm.s32 $0x2;
	s8 =	sadd.s32 s8, s6;
	s6 =	sor.u32 $0x1C02, s29  }
0xf: {  	s7 =	sadd.s32 s7, s31;
	s10 =	sshrl.u32 s30, $0x3;
	s8 =	sadd.s32 $0x5C00, s8  }
.LBB2_1:
0x10: {  	[spmem:s10], [sflag:s6] =	dma.local [hbm:s5], $0x2800  }
0x11: {  	_ =	swait.ge [sflag:s11], $0x2800  }
0x12: {  	[sflag:s11] =	ssyncset.done $0x0  }
0x13: {  	[sflag:s11] =	ssyncadd.s32 $0xFFFFD800  }
0x14: {  	[tilespmem:s3], [sflag:$0x2] =	stream.linear.gather [hbm4b:s7+s3], $0x5000, $0x38;
	[tilespmem:$0x1D000] =	vst v63  }
0x15: {  	_ =	swait.ge [sflag:s11], $0x5000  }
0x16: {  	[sflag:s11] =	ssyncset.done $0x0  }
0x17: {  	[sflag:s11] =	ssyncadd.s32 $0xFFFFB000  }
0x18: {  	[tilespmem:s12], [sflag:$0x2] =	stream.linear.gather [hbm4b:s4+s3], $0x3E80, $0x38;
	[tilespmem:$0x1D000] =	vst v63  }
0x19: {  	_ =	swait.ge [sflag:s11], $0x3E80  }
0x1a: {  	[sflag:s11] =	ssyncset.done $0x0  }
0x1b: {  	[sflag:s11] =	ssyncadd.s32 $0xFFFFC180  }
0x1c: {  	s16 =	simm.s32 $0x0;
	[bflag:$0x0] =	sbarrier.arrive $0xFFFF  }
.LBB2_2:
0x1d: {  	p0 =	sne.s32 s16, $0x13E00  }
.Ltmp0:
0x1e: {  	_ = 	snop;
	(pc) =	sbr.rel @p0 .LBB2_2-.Ltmp0, $3  }
0x1f: {  	_ =	sdelay $0x1  }
0x20: {  	s17 =	sshra.s32 s16, $0x2;
	s16 =	sadd.s32 $0x200, s16  }
0x21: {  	[spmem:s1] =	stream.indirect.scatter.add.f32 [tilespmem:s12], [sflag:$0x1], $0x80, s17, s13, $0xb8;
	[tilespmem:$0x1D000] =	vst v63  }
0x22: {  	_ =	swait.ge [sflag:s14], $0x3E80  }
0x23: {  	s16 =	simm.s32 $0x9F;
	[sflag:s14] =	ssyncset.done $0x0  }
.LBB2_4:
0x24: {  	p0 =	sne.s32 s16, $0x1;
	s16 =	sadd.s32 $0xFFFFFFFF, s16;
	[sflag:s14] =	ssyncadd.s32 $0xFFFFC180  }
.Ltmp1:
0x25: {  	(pc) =	sbr.rel @p0 .LBB2_4-.Ltmp1, $3  }
0x26: {  	_ =	sdelay $0x1  }
0x27: {  	_ =	swait.ge [sflag:s14], $0x3E80  }
0x28: {  	[sflag:s14] =	ssyncset.done $0x0  }
0x29: {  	s15 =	sadd.s32 $0x1, s15  }
0x2a: {  	[sflag:s14] =	ssyncadd.s32 $0xFFFFC180;
	p0 =	sne.s32 s15, s9  }
.Ltmp2:
0x2b: {  	[bflag:$0x0] =	sbarrier.arrive $0xFFFF;
	(pc) =	sbr.rel @p0 .LBB2_1-.Ltmp2, $4  }
0x2c: {  	[hbm:s8], [sflag:s6] =	dma.local [spmem:s10], $0x2800  }
0x2d: {  	_ =	swait.ge [sflag:s11], $0x2800  }
0x2e: {  	[sflag:s11] =	ssyncset.done $0x0  }
0x2f: {  	[sflag:s11] =	ssyncadd.s32 $0xFFFFD800  }
0x30: {  	_ =	sfence.sel $0x180000  }
0x31: {  	[bflag:$0x0] =	sbarrier.arrive $0xFFFF  }
0x32: {  	p0 =	sne.s32 s2, $0x0;
	_ =	strace $0x90000047  }
0x33: {  	s0 =	sadd.s32 @!p0 $0x100000, s0;
	[bflag:$0x2] =	sbarrier.arrive $0xFFFF  }
0x34: {  	[sflag:s0] =	ssyncadd.tile.s32 @!p0 $0x1;
	_ =	shalt  }
.Lfunc_end2:
_tile_overlayer_lowered:
.L_overlay_start_2:
0x35: {  	(tag) =	ssettag $0x2  }
0x36: {  	s0 =	rddreg [dreg:$0x0];
	s2 =	stileid.u32  }
0x37: {  	s1 =	rddreg [dreg:$0x1];
	p0 =	sne.s32 s2, $0x0  }
0x38: {  	s3 =	rddreg [dreg:$0x2];
	[bflag:$0x3] =	sbarrier.arrive $0xFFFF;
	s2 =	simm.s32 @!p0 $0x1C02  }
0x39: {  	[timem:s3], [sflag:s2] =	dma.local @!p0 [hbm:s0], s1  }
0x3a: {  	s0 =	simm.s32 @!p0 $0x2  }
0x3b: {  	_ =	swait.ge @!p0 [sflag:s0], s1  }
0x3c: {  	s1 =	ssub.s32 @!p0 $0x0, s1;
	[sflag:s0] =	ssyncset.done @!p0 $0x0  }
0x3d: {  	[sflag:s0] =	ssyncadd.s32 @!p0 s1  }
0x3e: {  	[bflag:$0x3] =	sbarrier.arrive $0xFFFF  }
0x3f: {  	_ =	shalt  }

</sc_bundles>
